<compile_context>
chip_gen: v7x
topology: tpu7x:2x2x1
jax: 0.10.2.dev20260603
libtpu: 0.0.44.dev20260713+nightly
codegen_flags: <defaults>
</compile_context>

<pallas_src>
import functools

import jax
import jax.numpy as jnp
from jax import lax
from jax.experimental import pallas as pl
from jax.experimental.pallas import tpu as pltpu
from jax.experimental.pallas import tpu_sc as plsc

N_VOCAB = 123
HIDDEN = 1000
N_OUT = 123
B = 4096
L = 20
_LP = 24

_NC = 2
_NS = 16
_NW = _NC * _NS
_CH = 128
_NCHUNK = B * _LP // (_NW * _CH)
_SUP = 3
_NSUP = _NCHUNK // _SUP
_NBUF = 2
_DPAD = 128


def _table_body(emb_ref, w1_ref, b1_ref, w2_ref, b2_ref, out_ref):
    h = jnp.maximum(emb_ref[...], 0.0)
    h = jnp.dot(h, w1_ref[...], preferred_element_type=jnp.float32)
    h = jnp.maximum(h + b1_ref[...][None, :], 0.0)
    t = jnp.dot(h, w2_ref[...], preferred_element_type=jnp.float32)
    t = t + b2_ref[...][None, :]
    out_ref[...] = jnp.pad(
        t, ((0, _DPAD - N_VOCAB), (0, _DPAD - N_OUT))
    )


_table_call = pl.pallas_call(
    _table_body,
    out_shape=jax.ShapeDtypeStruct((_DPAD, _DPAD), jnp.float32),
)


@functools.cache
def _make_gather_call():
    mesh = plsc.VectorSubcoreMesh(core_axis_name="c", subcore_axis_name="s")

    @functools.partial(
        pl.kernel,
        mesh=mesh,
        out_type=jax.ShapeDtypeStruct((B, _LP, _DPAD), jnp.float32),
        scratch_types=[
            pltpu.VMEM((_NCHUNK, _CH), jnp.int32),
            pltpu.VMEM((_NBUF, _SUP * _CH, _DPAD), jnp.float32),
            pltpu.VMEM_SHARED((_DPAD, _DPAD), jnp.float32),
            pltpu.SemaphoreType.DMA,
            pltpu.SemaphoreType.DMA,
            pltpu.SemaphoreType.DMA,
        ],
    )
    def _gather_call(
        idx_hbm, table_hbm, out_hbm, idx_v, rows, table_sp, g0, g1, wsem
    ):
        sid = lax.axis_index("s")
        wid = sid * _NC + lax.axis_index("c")
        @pl.when(sid == 0)
        def _():
            pltpu.sync_copy(table_hbm, table_sp)

        pltpu.sync_copy(idx_hbm.at[wid], idx_v)
        plsc.subcore_barrier()
        out_flat = out_hbm.reshape(B * _LP, _DPAD)
        gsems = (g0, g1)
        wcopies = [None] * _NSUP
        for s in range(_NSUP):
            buf = s % _NBUF
            if s >= _NBUF:
                wcopies[s - _NBUF].wait()
            gcopies = [
                pltpu.async_copy(
                    table_sp.at[idx_v.at[s * _SUP + k]],
                    rows.at[buf, pl.ds(k * _CH, _CH)],
                    gsems[buf],
                )
                for k in range(_SUP)
            ]
            for cp in gcopies:
                cp.wait()
            wcopies[s] = pltpu.async_copy(
                rows.at[buf],
                out_flat.at[
                    pl.ds(wid * _NCHUNK * _CH + s * _SUP * _CH, _SUP * _CH)
                ],
                wsem,
            )
        for s in range(_NSUP - _NBUF, _NSUP):
            wcopies[s].wait()

    return _gather_call


def kernel(inputs, embed, W1, b1, W2, b2):
    table = _table_call(embed, W1, b1, W2, b2)
    idx = jnp.pad(inputs.astype(jnp.int32), ((0, 0), (0, _LP - L)))
    idx = idx.reshape(_NW, _NCHUNK, _CH)
    out = _make_gather_call()(idx, table)
    return out[:, :L, :N_OUT]

# --- scband reference (transcript-rebuilt; emitter-appended) ---
"""Pipeline reference for scband-model-13271448944645 (READ-ONLY COPY).

The authoritative reference and input builder live on the scoring server;
editing this copy changes nothing except your own understanding.
"""

import jax, jax.numpy as jnp
import numpy as np

N_VOCAB = 123
EMBED_DIM = 1000
HIDDEN = 1000
B, L = 4096, 20


def setup_inputs(seed: int = 0) -> dict:
    key = jax.random.key(seed)
    k_idx, k_emb, k_w1, k_b1, k_w2, k_b2 = jax.random.split(key, 6)
    inputs = jax.random.randint(k_idx, (B, L), 0, N_VOCAB, dtype=jnp.int64) if jax.config.jax_enable_x64 else jax.random.randint(k_idx, (B, L), 0, N_VOCAB, dtype=jnp.int32)
    embed = jax.random.normal(k_emb, (N_VOCAB, EMBED_DIM), dtype=jnp.float32) * 0.02
    W1 = jax.random.normal(k_w1, (EMBED_DIM, HIDDEN), dtype=jnp.float32) * 0.02
    b1 = jnp.zeros((HIDDEN,), dtype=jnp.float32)
    W2 = jax.random.normal(k_w2, (HIDDEN, N_VOCAB), dtype=jnp.float32) * 0.02
    b2 = jnp.zeros((N_VOCAB,), dtype=jnp.float32)
    return {"inputs": inputs, "embed": embed, "W1": W1, "b1": b1, "W2": W2, "b2": b2}


def reference(inputs, embed, W1, b1, W2, b2):
    # nn.Embed(N_VOCAB, 1000)
    x = jnp.take(embed, inputs, axis=0)          # [B, L, 1000]
    x = jax.nn.relu(x)
    # nn.Dense(1000)
    x = jnp.dot(x, W1) + b1                      # [B, L, 1000]
    x = jax.nn.relu(x)
    # nn.Dense(N_VOCAB)
    x = jnp.dot(x, W2) + b2                      # [B, L, 123]
    return x

if __name__ == "__main__":
    import jax
    _d = setup_inputs()
    print(jax.jit(kernel)(*tuple(_d.values())))

</pallas_src>

<mosaic_0001>
#map = affine_map<(d0, d1) -> (0, 0, 0)>
#map1 = affine_map<(d0, d1) -> (0, 0)>
module attributes {stable_mosaic.version = 14 : i64} {
  func.func @_gather_call(%arg0: i32, %arg1: i32, %arg2: memref<32x24x128xi32, #tpu.memory_space<hbm>>, %arg3: memref<128x128xf32, #tpu.memory_space<hbm>>, %arg4: memref<4096x24x128xf32, #tpu.memory_space<hbm>>, %arg5: memref<24x128xi32, #tpu.memory_space<vmem>>, %arg6: memref<2x384x128xf32, #tpu.memory_space<vmem>>, %arg7: memref<128x128xf32, #tpu.memory_space<vmem_shared>>, %arg8: memref<!tpu.dma_semaphore, #tpu.memory_space<semaphore_mem>>, %arg9: memref<!tpu.dma_semaphore, #tpu.memory_space<semaphore_mem>>, %arg10: memref<!tpu.dma_semaphore, #tpu.memory_space<semaphore_mem>>) attributes {dimension_semantics = [#tpu.dimension_semantics<core_parallel>, #tpu.dimension_semantics<subcore_parallel>], iteration_bounds = array<i64: 2, 16>, scalar_prefetch = 0 : i64, scratch_operands = 6 : i64, tpu.core_type = #tpu.core_type<sc_vector_subcore>, window_params = [{transform_indices = #map}, {transform_indices = #map1}, {transform_indices = #map}]} {
    %mul3A = arith.constant 2 : i32
    %mul3A_0 = arith.muli %arg1, %mul3A : i32
    %add3A = arith.addi %mul3A_0, %arg0 : i32
    %eq3A = arith.constant 0 : i32
    %eq3A_1 = arith.cmpi eq, %arg1, %eq3A : i32
    %convert_element_type3A = arith.extui %eq3A_1 : i1 to i32
    %cond3A = arith.constant 0 : i32
    %cond3A_2 = arith.cmpi ne, %convert_element_type3A, %cond3A : i32
    scf.if %cond3A_2 {
      "tpu.region"() ({
        %run_scoped3A = tpu.sem_alloc : memref<!tpu.dma_semaphore, #tpu.memory_space<semaphore_mem>>
        tpu.enqueue_dma source(%arg3 : memref<128x128xf32, #tpu.memory_space<hbm>>) target(%arg7 : memref<128x128xf32, #tpu.memory_space<vmem_shared>>) target_semaphore(%run_scoped3A : memref<!tpu.dma_semaphore, #tpu.memory_space<semaphore_mem>>)
        tpu.wait_dma2 semaphore(%run_scoped3A : memref<!tpu.dma_semaphore, #tpu.memory_space<semaphore_mem>>) src(%arg3 : memref<128x128xf32, #tpu.memory_space<hbm>>) dst(%arg7 : memref<128x128xf32, #tpu.memory_space<vmem_shared>>)
        tpu.yield
      }) : () -> ()
    } else {
    }
    "tpu.region"() ({
      %run_scoped3A = tpu.sem_alloc : memref<!tpu.dma_semaphore, #tpu.memory_space<semaphore_mem>>
      %dma_start3A_865 = arith.constant 0 : i32
      %dma_start3A_866 = arith.constant 0 : i32
      %dma_start3A_867 = tpu.memref_slice %arg2[%add3A, %dma_start3A_865, %dma_start3A_866] : memref<32x24x128xi32, #tpu.memory_space<hbm>> -> memref<1x24x128xi32, #tpu.memory_space<hbm>>
      %dma_start3A_868 = tpu.memref_squeeze %dma_start3A_867 : memref<1x24x128xi32, #tpu.memory_space<hbm>> -> memref<24x128xi32, #tpu.memory_space<hbm>>
      %dma_start3A_869 = arith.constant 0 : i32
      %dma_start3A_870 = arith.constant 0 : i32
      %dma_start3A_871 = tpu.memref_slice %arg2[%add3A, %dma_start3A_869, %dma_start3A_870] : memref<32x24x128xi32, #tpu.memory_space<hbm>> -> memref<1x24x128xi32, #tpu.memory_space<hbm>>
      %dma_start3A_872 = tpu.memref_squeeze %dma_start3A_871 : memref<1x24x128xi32, #tpu.memory_space<hbm>> -> memref<24x128xi32, #tpu.memory_space<hbm>>
      tpu.enqueue_dma source(%dma_start3A_872 : memref<24x128xi32, #tpu.memory_space<hbm>>) target(%arg5 : memref<24x128xi32, #tpu.memory_space<vmem>>) target_semaphore(%run_scoped3A : memref<!tpu.dma_semaphore, #tpu.memory_space<semaphore_mem>>)
      %dma_wait3A_873 = arith.constant 0 : i32
      %dma_wait3A_874 = arith.constant 0 : i32
      %dma_wait3A_875 = tpu.memref_slice %arg2[%add3A, %dma_wait3A_873, %dma_wait3A_874] : memref<32x24x128xi32, #tpu.memory_space<hbm>> -> memref<1x24x128xi32, #tpu.memory_space<hbm>>
      %dma_wait3A_876 = tpu.memref_squeeze %dma_wait3A_875 : memref<1x24x128xi32, #tpu.memory_space<hbm>> -> memref<24x128xi32, #tpu.memory_space<hbm>>
      %dma_wait3A_877 = arith.constant 0 : i32
      %dma_wait3A_878 = arith.constant 0 : i32
      %dma_wait3A_879 = tpu.memref_slice %arg2[%add3A, %dma_wait3A_877, %dma_wait3A_878] : memref<32x24x128xi32, #tpu.memory_space<hbm>> -> memref<1x24x128xi32, #tpu.memory_space<hbm>>
      %dma_wait3A_880 = tpu.memref_squeeze %dma_wait3A_879 : memref<1x24x128xi32, #tpu.memory_space<hbm>> -> memref<24x128xi32, #tpu.memory_space<hbm>>
      tpu.wait_dma2 semaphore(%run_scoped3A : memref<!tpu.dma_semaphore, #tpu.memory_space<semaphore_mem>>) src(%dma_wait3A_880 : memref<24x128xi32, #tpu.memory_space<hbm>>) dst(%arg5 : memref<24x128xi32, #tpu.memory_space<vmem>>)
      tpu.yield
    }) : () -> ()
    %barrier3A = arith.constant 0 : index
    tpu.barrier barrier_id(%barrier3A)
    %dma_start3A = arith.constant 0 : i32
    %dma_start3A_3 = arith.constant 0 : i32
    %dma_start3A_4 = arith.constant 0 : i32
    %dma_start3A_5 = arith.constant 0 : i32
    %dma_start3A_6 = tpu.memref_slice %arg6[%dma_start3A_3, %dma_start3A_4, %dma_start3A_5] : memref<2x384x128xf32, #tpu.memory_space<vmem>> -> memref<1x128x128xf32, #tpu.memory_space<vmem>>
    %dma_start3A_7 = tpu.memref_squeeze %dma_start3A_6 : memref<1x128x128xf32, #tpu.memory_space<vmem>> -> memref<128x128xf32, #tpu.memory_space<vmem>>
    %dma_start3A_8 = arith.constant 0 : i32
    %dma_start3A_9 = tpu.memref_slice %arg5[%dma_start3A, %dma_start3A_8] : memref<24x128xi32, #tpu.memory_space<vmem>> -> memref<1x128xi32, #tpu.memory_space<vmem>>
    %dma_start3A_10 = tpu.memref_squeeze %dma_start3A_9 : memref<1x128xi32, #tpu.memory_space<vmem>> -> memref<128xi32, #tpu.memory_space<vmem>>
    %dma_start3A_11 = arith.constant 0 : i32
    %dma_start3A_12 = arith.constant 0 : i32
    %dma_start3A_13 = tpu.memref_slice %arg7[%dma_start3A_11, %dma_start3A_12] : memref<128x128xf32, #tpu.memory_space<vmem_shared>> -> memref<128x128xf32, #tpu.memory_space<vmem_shared>>
    tpu.enqueue_indirect_dma source(%dma_start3A_13 : memref<128x128xf32, #tpu.memory_space<vmem_shared>>) target(%dma_start3A_7 : memref<128x128xf32, #tpu.memory_space<vmem>>) offsets(%dma_start3A_10 : memref<128xi32, #tpu.memory_space<vmem>>) semaphore(%arg8 : memref<!tpu.dma_semaphore, #tpu.memory_space<semaphore_mem>>)
    %dma_start3A_14 = arith.constant 1 : i32
    %dma_start3A_15 = arith.constant 0 : i32
    %dma_start3A_16 = arith.constant 128 : i32
    %dma_start3A_17 = arith.constant 0 : i32
    %dma_start3A_18 = tpu.memref_slice %arg6[%dma_start3A_15, %dma_start3A_16, %dma_start3A_17] : memref<2x384x128xf32, #tpu.memory_space<vmem>> -> memref<1x128x128xf32, #tpu.memory_space<vmem>>
    %dma_start3A_19 = tpu.memref_squeeze %dma_start3A_18 : memref<1x128x128xf32, #tpu.memory_space<vmem>> -> memref<128x128xf32, #tpu.memory_space<vmem>>
    %dma_start3A_20 = arith.constant 0 : i32
    %dma_start3A_21 = tpu.memref_slice %arg5[%dma_start3A_14, %dma_start3A_20] : memref<24x128xi32, #tpu.memory_space<vmem>> -> memref<1x128xi32, #tpu.memory_space<vmem>>
    %dma_start3A_22 = tpu.memref_squeeze %dma_start3A_21 : memref<1x128xi32, #tpu.memory_space<vmem>> -> memref<128xi32, #tpu.memory_space<vmem>>
    %dma_start3A_23 = arith.constant 0 : i32
    %dma_start3A_24 = arith.constant 0 : i32
    %dma_start3A_25 = tpu.memref_slice %arg7[%dma_start3A_23, %dma_start3A_24] : memref<128x128xf32, #tpu.memory_space<vmem_shared>> -> memref<128x128xf32, #tpu.memory_space<vmem_shared>>
    tpu.enqueue_indirect_dma source(%dma_start3A_25 : memref<128x128xf32, #tpu.memory_space<vmem_shared>>) target(%dma_start3A_19 : memref<128x128xf32, #tpu.memory_space<vmem>>) offsets(%dma_start3A_22 : memref<128xi32, #tpu.memory_space<vmem>>) semaphore(%arg8 : memref<!tpu.dma_semaphore, #tpu.memory_space<semaphore_mem>>)
    %dma_start3A_26 = arith.constant 2 : i32
    %dma_start3A_27 = arith.constant 0 : i32
    %dma_start3A_28 = arith.constant 256 : i32
    %dma_start3A_29 = arith.constant 0 : i32
    %dma_start3A_30 = tpu.memref_slice %arg6[%dma_start3A_27, %dma_start3A_28, %dma_start3A_29] : memref<2x384x128xf32, #tpu.memory_space<vmem>> -> memref<1x128x128xf32, #tpu.memory_space<vmem>>
    %dma_start3A_31 = tpu.memref_squeeze %dma_start3A_30 : memref<1x128x128xf32, #tpu.memory_space<vmem>> -> memref<128x128xf32, #tpu.memory_space<vmem>>
    %dma_start3A_32 = arith.constant 0 : i32
    %dma_start3A_33 = tpu.memref_slice %arg5[%dma_start3A_26, %dma_start3A_32] : memref<24x128xi32, #tpu.memory_space<vmem>> -> memref<1x128xi32, #tpu.memory_space<vmem>>
    %dma_start3A_34 = tpu.memref_squeeze %dma_start3A_33 : memref<1x128xi32, #tpu.memory_space<vmem>> -> memref<128xi32, #tpu.memory_space<vmem>>
    %dma_start3A_35 = arith.constant 0 : i32
    %dma_start3A_36 = arith.constant 0 : i32
    %dma_start3A_37 = tpu.memref_slice %arg7[%dma_start3A_35, %dma_start3A_36] : memref<128x128xf32, #tpu.memory_space<vmem_shared>> -> memref<128x128xf32, #tpu.memory_space<vmem_shared>>
    tpu.enqueue_indirect_dma source(%dma_start3A_37 : memref<128x128xf32, #tpu.memory_space<vmem_shared>>) target(%dma_start3A_31 : memref<128x128xf32, #tpu.memory_space<vmem>>) offsets(%dma_start3A_34 : memref<128xi32, #tpu.memory_space<vmem>>) semaphore(%arg8 : memref<!tpu.dma_semaphore, #tpu.memory_space<semaphore_mem>>)
    %dma_wait3A = arith.constant 0 : i32
    %dma_wait3A_38 = arith.constant 0 : i32
    %dma_wait3A_39 = arith.constant 0 : i32
    %dma_wait3A_40 = arith.constant 0 : i32
    %dma_wait3A_41 = tpu.memref_slice %arg6[%dma_wait3A_38, %dma_wait3A_39, %dma_wait3A_40] : memref<2x384x128xf32, #tpu.memory_space<vmem>> -> memref<1x128x128xf32, #tpu.memory_space<vmem>>
    %dma_wait3A_42 = tpu.memref_squeeze %dma_wait3A_41 : memref<1x128x128xf32, #tpu.memory_space<vmem>> -> memref<128x128xf32, #tpu.memory_space<vmem>>
    %dma_wait3A_43 = arith.constant 0 : i32
    %dma_wait3A_44 = tpu.memref_slice %arg5[%dma_wait3A, %dma_wait3A_43] : memref<24x128xi32, #tpu.memory_space<vmem>> -> memref<1x128xi32, #tpu.memory_space<vmem>>
    %dma_wait3A_45 = tpu.memref_squeeze %dma_wait3A_44 : memref<1x128xi32, #tpu.memory_space<vmem>> -> memref<128xi32, #tpu.memory_space<vmem>>
    %dma_wait3A_46 = arith.constant 0 : i32
    %dma_wait3A_47 = arith.constant 0 : i32
    %dma_wait3A_48 = tpu.memref_slice %arg7[%dma_wait3A_46, %dma_wait3A_47] : memref<128x128xf32, #tpu.memory_space<vmem_shared>> -> memref<128x128xf32, #tpu.memory_space<vmem_shared>>
    tpu.wait_indirect_dma semaphore(%arg8 : memref<!tpu.dma_semaphore, #tpu.memory_space<semaphore_mem>>) src(%dma_wait3A_48 : memref<128x128xf32, #tpu.memory_space<vmem_shared>>) dst(%dma_wait3A_42 : memref<128x128xf32, #tpu.memory_space<vmem>>)
    %dma_wait3A_49 = arith.constant 1 : i32
    %dma_wait3A_50 = arith.constant 0 : i32
    %dma_wait3A_51 = arith.constant 128 : i32
    %dma_wait3A_52 = arith.constant 0 : i32
    %dma_wait3A_53 = tpu.memref_slice %arg6[%dma_wait3A_50, %dma_wait3A_51, %dma_wait3A_52] : memref<2x384x128xf32, #tpu.memory_space<vmem>> -> memref<1x128x128xf32, #tpu.memory_space<vmem>>
    %dma_wait3A_54 = tpu.memref_squeeze %dma_wait3A_53 : memref<1x128x128xf32, #tpu.memory_space<vmem>> -> memref<128x128xf32, #tpu.memory_space<vmem>>
    %dma_wait3A_55 = arith.constant 0 : i32
    %dma_wait3A_56 = tpu.memref_slice %arg5[%dma_wait3A_49, %dma_wait3A_55] : memref<24x128xi32, #tpu.memory_space<vmem>> -> memref<1x128xi32, #tpu.memory_space<vmem>>
    %dma_wait3A_57 = tpu.memref_squeeze %dma_wait3A_56 : memref<1x128xi32, #tpu.memory_space<vmem>> -> memref<128xi32, #tpu.memory_space<vmem>>
    %dma_wait3A_58 = arith.constant 0 : i32
    %dma_wait3A_59 = arith.constant 0 : i32
    %dma_wait3A_60 = tpu.memref_slice %arg7[%dma_wait3A_58, %dma_wait3A_59] : memref<128x128xf32, #tpu.memory_space<vmem_shared>> -> memref<128x128xf32, #tpu.memory_space<vmem_shared>>
    tpu.wait_indirect_dma semaphore(%arg8 : memref<!tpu.dma_semaphore, #tpu.memory_space<semaphore_mem>>) src(%dma_wait3A_60 : memref<128x128xf32, #tpu.memory_space<vmem_shared>>) dst(%dma_wait3A_54 : memref<128x128xf32, #tpu.memory_space<vmem>>)
    %dma_wait3A_61 = arith.constant 2 : i32
    %dma_wait3A_62 = arith.constant 0 : i32
    %dma_wait3A_63 = arith.constant 256 : i32
    %dma_wait3A_64 = arith.constant 0 : i32
    %dma_wait3A_65 = tpu.memref_slice %arg6[%dma_wait3A_62, %dma_wait3A_63, %dma_wait3A_64] : memref<2x384x128xf32, #tpu.memory_space<vmem>> -> memref<1x128x128xf32, #tpu.memory_space<vmem>>
    %dma_wait3A_66 = tpu.memref_squeeze %dma_wait3A_65 : memref<1x128x128xf32, #tpu.memory_space<vmem>> -> memref<128x128xf32, #tpu.memory_space<vmem>>
    %dma_wait3A_67 = arith.constant 0 : i32
    %dma_wait3A_68 = tpu.memref_slice %arg5[%dma_wait3A_61, %dma_wait3A_67] : memref<24x128xi32, #tpu.memory_space<vmem>> -> memref<1x128xi32, #tpu.memory_space<vmem>>
    %dma_wait3A_69 = tpu.memref_squeeze %dma_wait3A_68 : memref<1x128xi32, #tpu.memory_space<vmem>> -> memref<128xi32, #tpu.memory_space<vmem>>
    %dma_wait3A_70 = arith.constant 0 : i32
    %dma_wait3A_71 = arith.constant 0 : i32
    %dma_wait3A_72 = tpu.memref_slice %arg7[%dma_wait3A_70, %dma_wait3A_71] : memref<128x128xf32, #tpu.memory_space<vmem_shared>> -> memref<128x128xf32, #tpu.memory_space<vmem_shared>>
    tpu.wait_indirect_dma semaphore(%arg8 : memref<!tpu.dma_semaphore, #tpu.memory_space<semaphore_mem>>) src(%dma_wait3A_72 : memref<128x128xf32, #tpu.memory_space<vmem_shared>>) dst(%dma_wait3A_66 : memref<128x128xf32, #tpu.memory_space<vmem>>)
    %mul3A_73 = arith.constant 24 : i32
    %mul3A_74 = arith.muli %add3A, %mul3A_73 : i32
    %mul3A_75 = arith.constant 128 : i32
    %mul3A_76 = arith.muli %mul3A_74, %mul3A_75 : i32
    %add3A_77 = arith.constant 0 : i32
    %add3A_78 = arith.addi %mul3A_76, %add3A_77 : i32
    %dma_start3A_79 = arith.constant 0 : i32
    %dma_start3A_80 = arith.constant 0 : i32
    %dma_start3A_81 = arith.constant 0 : i32
    %dma_start3A_82 = tpu.memref_slice %arg6[%dma_start3A_79, %dma_start3A_80, %dma_start3A_81] : memref<2x384x128xf32, #tpu.memory_space<vmem>> -> memref<1x384x128xf32, #tpu.memory_space<vmem>>
    %dma_start3A_83 = tpu.memref_squeeze %dma_start3A_82 : memref<1x384x128xf32, #tpu.memory_space<vmem>> -> memref<384x128xf32, #tpu.memory_space<vmem>>
    %dma_start3A_84 = tpu.memref_reshape %arg4 : memref<4096x24x128xf32, #tpu.memory_space<hbm>> -> memref<98304x128xf32, #tpu.memory_space<hbm>>
    %dma_start3A_85 = arith.constant 0 : i32
    %dma_start3A_86 = tpu.memref_slice %dma_start3A_84[%add3A_78, %dma_start3A_85] : memref<98304x128xf32, #tpu.memory_space<hbm>> -> memref<384x128xf32, #tpu.memory_space<hbm>>
    %dma_start3A_87 = tpu.memref_reshape %arg4 : memref<4096x24x128xf32, #tpu.memory_space<hbm>> -> memref<98304x128xf32, #tpu.memory_space<hbm>>
    %dma_start3A_88 = arith.constant 0 : i32
    %dma_start3A_89 = tpu.memref_slice %dma_start3A_87[%add3A_78, %dma_start3A_88] : memref<98304x128xf32, #tpu.memory_space<hbm>> -> memref<384x128xf32, #tpu.memory_space<hbm>>
    %dma_start3A_90 = arith.constant 0 : i32
    %dma_start3A_91 = arith.constant 0 : i32
    %dma_start3A_92 = tpu.memref_slice %arg6[%dma_start3A_79, %dma_start3A_90, %dma_start3A_91] : memref<2x384x128xf32, #tpu.memory_space<vmem>> -> memref<1x384x128xf32, #tpu.memory_space<vmem>>
    %dma_start3A_93 = tpu.memref_squeeze %dma_start3A_92 : memref<1x384x128xf32, #tpu.memory_space<vmem>> -> memref<384x128xf32, #tpu.memory_space<vmem>>
    tpu.enqueue_dma source(%dma_start3A_93 : memref<384x128xf32, #tpu.memory_space<vmem>>) target(%dma_start3A_89 : memref<384x128xf32, #tpu.memory_space<hbm>>) target_semaphore(%arg10 : memref<!tpu.dma_semaphore, #tpu.memory_space<semaphore_mem>>)
    %dma_start3A_94 = arith.constant 3 : i32
    %dma_start3A_95 = arith.constant 1 : i32
    %dma_start3A_96 = arith.constant 0 : i32
    %dma_start3A_97 = arith.constant 0 : i32
    %dma_start3A_98 = tpu.memref_slice %arg6[%dma_start3A_95, %dma_start3A_96, %dma_start3A_97] : memref<2x384x128xf32, #tpu.memory_space<vmem>> -> memref<1x128x128xf32, #tpu.memory_space<vmem>>
    %dma_start3A_99 = tpu.memref_squeeze %dma_start3A_98 : memref<1x128x128xf32, #tpu.memory_space<vmem>> -> memref<128x128xf32, #tpu.memory_space<vmem>>
    %dma_start3A_100 = arith.constant 0 : i32
    %dma_start3A_101 = tpu.memref_slice %arg5[%dma_start3A_94, %dma_start3A_100] : memref<24x128xi32, #tpu.memory_space<vmem>> -> memref<1x128xi32, #tpu.memory_space<vmem>>
    %dma_start3A_102 = tpu.memref_squeeze %dma_start3A_101 : memref<1x128xi32, #tpu.memory_space<vmem>> -> memref<128xi32, #tpu.memory_space<vmem>>
    %dma_start3A_103 = arith.constant 0 : i32
    %dma_start3A_104 = arith.constant 0 : i32
    %dma_start3A_105 = tpu.memref_slice %arg7[%dma_start3A_103, %dma_start3A_104] : memref<128x128xf32, #tpu.memory_space<vmem_shared>> -> memref<128x128xf32, #tpu.memory_space<vmem_shared>>
    tpu.enqueue_indirect_dma source(%dma_start3A_105 : memref<128x128xf32, #tpu.memory_space<vmem_shared>>) target(%dma_start3A_99 : memref<128x128xf32, #tpu.memory_space<vmem>>) offsets(%dma_start3A_102 : memref<128xi32, #tpu.memory_space<vmem>>) semaphore(%arg9 : memref<!tpu.dma_semaphore, #tpu.memory_space<semaphore_mem>>)
    %dma_start3A_106 = arith.constant 4 : i32
    %dma_start3A_107 = arith.constant 1 : i32
    %dma_start3A_108 = arith.constant 128 : i32
    %dma_start3A_109 = arith.constant 0 : i32
    %dma_start3A_110 = tpu.memref_slice %arg6[%dma_start3A_107, %dma_start3A_108, %dma_start3A_109] : memref<2x384x128xf32, #tpu.memory_space<vmem>> -> memref<1x128x128xf32, #tpu.memory_space<vmem>>
    %dma_start3A_111 = tpu.memref_squeeze %dma_start3A_110 : memref<1x128x128xf32, #tpu.memory_space<vmem>> -> memref<128x128xf32, #tpu.memory_space<vmem>>
    %dma_start3A_112 = arith.constant 0 : i32
    %dma_start3A_113 = tpu.memref_slice %arg5[%dma_start3A_106, %dma_start3A_112] : memref<24x128xi32, #tpu.memory_space<vmem>> -> memref<1x128xi32, #tpu.memory_space<vmem>>
    %dma_start3A_114 = tpu.memref_squeeze %dma_start3A_113 : memref<1x128xi32, #tpu.memory_space<vmem>> -> memref<128xi32, #tpu.memory_space<vmem>>
    %dma_start3A_115 = arith.constant 0 : i32
    %dma_start3A_116 = arith.constant 0 : i32
    %dma_start3A_117 = tpu.memref_slice %arg7[%dma_start3A_115, %dma_start3A_116] : memref<128x128xf32, #tpu.memory_space<vmem_shared>> -> memref<128x128xf32, #tpu.memory_space<vmem_shared>>
    tpu.enqueue_indirect_dma source(%dma_start3A_117 : memref<128x128xf32, #tpu.memory_space<vmem_shared>>) target(%dma_start3A_111 : memref<128x128xf32, #tpu.memory_space<vmem>>) offsets(%dma_start3A_114 : memref<128xi32, #tpu.memory_space<vmem>>) semaphore(%arg9 : memref<!tpu.dma_semaphore, #tpu.memory_space<semaphore_mem>>)
    %dma_start3A_118 = arith.constant 5 : i32
    %dma_start3A_119 = arith.constant 1 : i32
    %dma_start3A_120 = arith.constant 256 : i32
    %dma_start3A_121 = arith.constant 0 : i32
    %dma_start3A_122 = tpu.memref_slice %arg6[%dma_start3A_119, %dma_start3A_120, %dma_start3A_121] : memref<2x384x128xf32, #tpu.memory_space<vmem>> -> memref<1x128x128xf32, #tpu.memory_space<vmem>>
    %dma_start3A_123 = tpu.memref_squeeze %dma_start3A_122 : memref<1x128x128xf32, #tpu.memory_space<vmem>> -> memref<128x128xf32, #tpu.memory_space<vmem>>
    %dma_start3A_124 = arith.constant 0 : i32
    %dma_start3A_125 = tpu.memref_slice %arg5[%dma_start3A_118, %dma_start3A_124] : memref<24x128xi32, #tpu.memory_space<vmem>> -> memref<1x128xi32, #tpu.memory_space<vmem>>
    %dma_start3A_126 = tpu.memref_squeeze %dma_start3A_125 : memref<1x128xi32, #tpu.memory_space<vmem>> -> memref<128xi32, #tpu.memory_space<vmem>>
    %dma_start3A_127 = arith.constant 0 : i32
    %dma_start3A_128 = arith.constant 0 : i32
    %dma_start3A_129 = tpu.memref_slice %arg7[%dma_start3A_127, %dma_start3A_128] : memref<128x128xf32, #tpu.memory_space<vmem_shared>> -> memref<128x128xf32, #tpu.memory_space<vmem_shared>>
    tpu.enqueue_indirect_dma source(%dma_start3A_129 : memref<128x128xf32, #tpu.memory_space<vmem_shared>>) target(%dma_start3A_123 : memref<128x128xf32, #tpu.memory_space<vmem>>) offsets(%dma_start3A_126 : memref<128xi32, #tpu.memory_space<vmem>>) semaphore(%arg9 : memref<!tpu.dma_semaphore, #tpu.memory_space<semaphore_mem>>)
    %dma_wait3A_130 = arith.constant 3 : i32
    %dma_wait3A_131 = arith.constant 1 : i32
    %dma_wait3A_132 = arith.constant 0 : i32
    %dma_wait3A_133 = arith.constant 0 : i32
    %dma_wait3A_134 = tpu.memref_slice %arg6[%dma_wait3A_131, %dma_wait3A_132, %dma_wait3A_133] : memref<2x384x128xf32, #tpu.memory_space<vmem>> -> memref<1x128x128xf32, #tpu.memory_space<vmem>>
    %dma_wait3A_135 = tpu.memref_squeeze %dma_wait3A_134 : memref<1x128x128xf32, #tpu.memory_space<vmem>> -> memref<128x128xf32, #tpu.memory_space<vmem>>
    %dma_wait3A_136 = arith.constant 0 : i32
    %dma_wait3A_137 = tpu.memref_slice %arg5[%dma_wait3A_130, %dma_wait3A_136] : memref<24x128xi32, #tpu.memory_space<vmem>> -> memref<1x128xi32, #tpu.memory_space<vmem>>
    %dma_wait3A_138 = tpu.memref_squeeze %dma_wait3A_137 : memref<1x128xi32, #tpu.memory_space<vmem>> -> memref<128xi32, #tpu.memory_space<vmem>>
    %dma_wait3A_139 = arith.constant 0 : i32
    %dma_wait3A_140 = arith.constant 0 : i32
    %dma_wait3A_141 = tpu.memref_slice %arg7[%dma_wait3A_139, %dma_wait3A_140] : memref<128x128xf32, #tpu.memory_space<vmem_shared>> -> memref<128x128xf32, #tpu.memory_space<vmem_shared>>
    tpu.wait_indirect_dma semaphore(%arg9 : memref<!tpu.dma_semaphore, #tpu.memory_space<semaphore_mem>>) src(%dma_wait3A_141 : memref<128x128xf32, #tpu.memory_space<vmem_shared>>) dst(%dma_wait3A_135 : memref<128x128xf32, #tpu.memory_space<vmem>>)
    %dma_wait3A_142 = arith.constant 4 : i32
    %dma_wait3A_143 = arith.constant 1 : i32
    %dma_wait3A_144 = arith.constant 128 : i32
    %dma_wait3A_145 = arith.constant 0 : i32
    %dma_wait3A_146 = tpu.memref_slice %arg6[%dma_wait3A_143, %dma_wait3A_144, %dma_wait3A_145] : memref<2x384x128xf32, #tpu.memory_space<vmem>> -> memref<1x128x128xf32, #tpu.memory_space<vmem>>
    %dma_wait3A_147 = tpu.memref_squeeze %dma_wait3A_146 : memref<1x128x128xf32, #tpu.memory_space<vmem>> -> memref<128x128xf32, #tpu.memory_space<vmem>>
    %dma_wait3A_148 = arith.constant 0 : i32
    %dma_wait3A_149 = tpu.memref_slice %arg5[%dma_wait3A_142, %dma_wait3A_148] : memref<24x128xi32, #tpu.memory_space<vmem>> -> memref<1x128xi32, #tpu.memory_space<vmem>>
    %dma_wait3A_150 = tpu.memref_squeeze %dma_wait3A_149 : memref<1x128xi32, #tpu.memory_space<vmem>> -> memref<128xi32, #tpu.memory_space<vmem>>
    %dma_wait3A_151 = arith.constant 0 : i32
    %dma_wait3A_152 = arith.constant 0 : i32
    %dma_wait3A_153 = tpu.memref_slice %arg7[%dma_wait3A_151, %dma_wait3A_152] : memref<128x128xf32, #tpu.memory_space<vmem_shared>> -> memref<128x128xf32, #tpu.memory_space<vmem_shared>>
    tpu.wait_indirect_dma semaphore(%arg9 : memref<!tpu.dma_semaphore, #tpu.memory_space<semaphore_mem>>) src(%dma_wait3A_153 : memref<128x128xf32, #tpu.memory_space<vmem_shared>>) dst(%dma_wait3A_147 : memref<128x128xf32, #tpu.memory_space<vmem>>)
    %dma_wait3A_154 = arith.constant 5 : i32
    %dma_wait3A_155 = arith.constant 1 : i32
    %dma_wait3A_156 = arith.constant 256 : i32
    %dma_wait3A_157 = arith.constant 0 : i32
    %dma_wait3A_158 = tpu.memref_slice %arg6[%dma_wait3A_155, %dma_wait3A_156, %dma_wait3A_157] : memref<2x384x128xf32, #tpu.memory_space<vmem>> -> memref<1x128x128xf32, #tpu.memory_space<vmem>>
    %dma_wait3A_159 = tpu.memref_squeeze %dma_wait3A_158 : memref<1x128x128xf32, #tpu.memory_space<vmem>> -> memref<128x128xf32, #tpu.memory_space<vmem>>
    %dma_wait3A_160 = arith.constant 0 : i32
    %dma_wait3A_161 = tpu.memref_slice %arg5[%dma_wait3A_154, %dma_wait3A_160] : memref<24x128xi32, #tpu.memory_space<vmem>> -> memref<1x128xi32, #tpu.memory_space<vmem>>
    %dma_wait3A_162 = tpu.memref_squeeze %dma_wait3A_161 : memref<1x128xi32, #tpu.memory_space<vmem>> -> memref<128xi32, #tpu.memory_space<vmem>>
    %dma_wait3A_163 = arith.constant 0 : i32
    %dma_wait3A_164 = arith.constant 0 : i32
    %dma_wait3A_165 = tpu.memref_slice %arg7[%dma_wait3A_163, %dma_wait3A_164] : memref<128x128xf32, #tpu.memory_space<vmem_shared>> -> memref<128x128xf32, #tpu.memory_space<vmem_shared>>
    tpu.wait_indirect_dma semaphore(%arg9 : memref<!tpu.dma_semaphore, #tpu.memory_space<semaphore_mem>>) src(%dma_wait3A_165 : memref<128x128xf32, #tpu.memory_space<vmem_shared>>) dst(%dma_wait3A_159 : memref<128x128xf32, #tpu.memory_space<vmem>>)
    %mul3A_166 = arith.constant 24 : i32
    %mul3A_167 = arith.muli %add3A, %mul3A_166 : i32
    %mul3A_168 = arith.constant 128 : i32
    %mul3A_169 = arith.muli %mul3A_167, %mul3A_168 : i32
    %add3A_170 = arith.constant 384 : i32
    %add3A_171 = arith.addi %mul3A_169, %add3A_170 : i32
    %dma_start3A_172 = arith.constant 1 : i32
    %dma_start3A_173 = arith.constant 0 : i32
    %dma_start3A_174 = arith.constant 0 : i32
    %dma_start3A_175 = tpu.memref_slice %arg6[%dma_start3A_172, %dma_start3A_173, %dma_start3A_174] : memref<2x384x128xf32, #tpu.memory_space<vmem>> -> memref<1x384x128xf32, #tpu.memory_space<vmem>>
    %dma_start3A_176 = tpu.memref_squeeze %dma_start3A_175 : memref<1x384x128xf32, #tpu.memory_space<vmem>> -> memref<384x128xf32, #tpu.memory_space<vmem>>
    %dma_start3A_177 = tpu.memref_reshape %arg4 : memref<4096x24x128xf32, #tpu.memory_space<hbm>> -> memref<98304x128xf32, #tpu.memory_space<hbm>>
    %dma_start3A_178 = arith.constant 0 : i32
    %dma_start3A_179 = tpu.memref_slice %dma_start3A_177[%add3A_171, %dma_start3A_178] : memref<98304x128xf32, #tpu.memory_space<hbm>> -> memref<384x128xf32, #tpu.memory_space<hbm>>
    %dma_start3A_180 = tpu.memref_reshape %arg4 : memref<4096x24x128xf32, #tpu.memory_space<hbm>> -> memref<98304x128xf32, #tpu.memory_space<hbm>>
    %dma_start3A_181 = arith.constant 0 : i32
    %dma_start3A_182 = tpu.memref_slice %dma_start3A_180[%add3A_171, %dma_start3A_181] : memref<98304x128xf32, #tpu.memory_space<hbm>> -> memref<384x128xf32, #tpu.memory_space<hbm>>
    %dma_start3A_183 = arith.constant 0 : i32
    %dma_start3A_184 = arith.constant 0 : i32
    %dma_start3A_185 = tpu.memref_slice %arg6[%dma_start3A_172, %dma_start3A_183, %dma_start3A_184] : memref<2x384x128xf32, #tpu.memory_space<vmem>> -> memref<1x384x128xf32, #tpu.memory_space<vmem>>
    %dma_start3A_186 = tpu.memref_squeeze %dma_start3A_185 : memref<1x384x128xf32, #tpu.memory_space<vmem>> -> memref<384x128xf32, #tpu.memory_space<vmem>>
    tpu.enqueue_dma source(%dma_start3A_186 : memref<384x128xf32, #tpu.memory_space<vmem>>) target(%dma_start3A_182 : memref<384x128xf32, #tpu.memory_space<hbm>>) target_semaphore(%arg10 : memref<!tpu.dma_semaphore, #tpu.memory_space<semaphore_mem>>)
    %dma_wait3A_187 = arith.constant 0 : i32
    %dma_wait3A_188 = arith.constant 0 : i32
    %dma_wait3A_189 = arith.constant 0 : i32
    %dma_wait3A_190 = tpu.memref_slice %arg6[%dma_wait3A_187, %dma_wait3A_188, %dma_wait3A_189] : memref<2x384x128xf32, #tpu.memory_space<vmem>> -> memref<1x384x128xf32, #tpu.memory_space<vmem>>
    %dma_wait3A_191 = tpu.memref_squeeze %dma_wait3A_190 : memref<1x384x128xf32, #tpu.memory_space<vmem>> -> memref<384x128xf32, #tpu.memory_space<vmem>>
    %dma_wait3A_192 = tpu.memref_reshape %arg4 : memref<4096x24x128xf32, #tpu.memory_space<hbm>> -> memref<98304x128xf32, #tpu.memory_space<hbm>>
    %dma_wait3A_193 = arith.constant 0 : i32
    %dma_wait3A_194 = tpu.memref_slice %dma_wait3A_192[%add3A_78, %dma_wait3A_193] : memref<98304x128xf32, #tpu.memory_space<hbm>> -> memref<384x128xf32, #tpu.memory_space<hbm>>
    %dma_wait3A_195 = tpu.memref_reshape %arg4 : memref<4096x24x128xf32, #tpu.memory_space<hbm>> -> memref<98304x128xf32, #tpu.memory_space<hbm>>
    %dma_wait3A_196 = arith.constant 0 : i32
    %dma_wait3A_197 = tpu.memref_slice %dma_wait3A_195[%add3A_78, %dma_wait3A_196] : memref<98304x128xf32, #tpu.memory_space<hbm>> -> memref<384x128xf32, #tpu.memory_space<hbm>>
    %dma_wait3A_198 = arith.constant 0 : i32
    %dma_wait3A_199 = arith.constant 0 : i32
    %dma_wait3A_200 = tpu.memref_slice %arg6[%dma_wait3A_187, %dma_wait3A_198, %dma_wait3A_199] : memref<2x384x128xf32, #tpu.memory_space<vmem>> -> memref<1x384x128xf32, #tpu.memory_space<vmem>>
    %dma_wait3A_201 = tpu.memref_squeeze %dma_wait3A_200 : memref<1x384x128xf32, #tpu.memory_space<vmem>> -> memref<384x128xf32, #tpu.memory_space<vmem>>
    tpu.wait_dma2 semaphore(%arg10 : memref<!tpu.dma_semaphore, #tpu.memory_space<semaphore_mem>>) src(%dma_wait3A_201 : memref<384x128xf32, #tpu.memory_space<vmem>>) dst(%dma_wait3A_197 : memref<384x128xf32, #tpu.memory_space<hbm>>)
    %dma_start3A_202 = arith.constant 6 : i32
    %dma_start3A_203 = arith.constant 0 : i32
    %dma_start3A_204 = arith.constant 0 : i32
    %dma_start3A_205 = arith.constant 0 : i32
    %dma_start3A_206 = tpu.memref_slice %arg6[%dma_start3A_203, %dma_start3A_204, %dma_start3A_205] : memref<2x384x128xf32, #tpu.memory_space<vmem>> -> memref<1x128x128xf32, #tpu.memory_space<vmem>>
    %dma_start3A_207 = tpu.memref_squeeze %dma_start3A_206 : memref<1x128x128xf32, #tpu.memory_space<vmem>> -> memref<128x128xf32, #tpu.memory_space<vmem>>
    %dma_start3A_208 = arith.constant 0 : i32
    %dma_start3A_209 = tpu.memref_slice %arg5[%dma_start3A_202, %dma_start3A_208] : memref<24x128xi32, #tpu.memory_space<vmem>> -> memref<1x128xi32, #tpu.memory_space<vmem>>
    %dma_start3A_210 = tpu.memref_squeeze %dma_start3A_209 : memref<1x128xi32, #tpu.memory_space<vmem>> -> memref<128xi32, #tpu.memory_space<vmem>>
    %dma_start3A_211 = arith.constant 0 : i32
    %dma_start3A_212 = arith.constant 0 : i32
    %dma_start3A_213 = tpu.memref_slice %arg7[%dma_start3A_211, %dma_start3A_212] : memref<128x128xf32, #tpu.memory_space<vmem_shared>> -> memref<128x128xf32, #tpu.memory_space<vmem_shared>>
    tpu.enqueue_indirect_dma source(%dma_start3A_213 : memref<128x128xf32, #tpu.memory_space<vmem_shared>>) target(%dma_start3A_207 : memref<128x128xf32, #tpu.memory_space<vmem>>) offsets(%dma_start3A_210 : memref<128xi32, #tpu.memory_space<vmem>>) semaphore(%arg8 : memref<!tpu.dma_semaphore, #tpu.memory_space<semaphore_mem>>)
    %dma_start3A_214 = arith.constant 7 : i32
    %dma_start3A_215 = arith.constant 0 : i32
    %dma_start3A_216 = arith.constant 128 : i32
    %dma_start3A_217 = arith.constant 0 : i32
    %dma_start3A_218 = tpu.memref_slice %arg6[%dma_start3A_215, %dma_start3A_216, %dma_start3A_217] : memref<2x384x128xf32, #tpu.memory_space<vmem>> -> memref<1x128x128xf32, #tpu.memory_space<vmem>>
    %dma_start3A_219 = tpu.memref_squeeze %dma_start3A_218 : memref<1x128x128xf32, #tpu.memory_space<vmem>> -> memref<128x128xf32, #tpu.memory_space<vmem>>
    %dma_start3A_220 = arith.constant 0 : i32
    %dma_start3A_221 = tpu.memref_slice %arg5[%dma_start3A_214, %dma_start3A_220] : memref<24x128xi32, #tpu.memory_space<vmem>> -> memref<1x128xi32, #tpu.memory_space<vmem>>
    %dma_start3A_222 = tpu.memref_squeeze %dma_start3A_221 : memref<1x128xi32, #tpu.memory_space<vmem>> -> memref<128xi32, #tpu.memory_space<vmem>>
    %dma_start3A_223 = arith.constant 0 : i32
    %dma_start3A_224 = arith.constant 0 : i32
    %dma_start3A_225 = tpu.memref_slice %arg7[%dma_start3A_223, %dma_start3A_224] : memref<128x128xf32, #tpu.memory_space<vmem_shared>> -> memref<128x128xf32, #tpu.memory_space<vmem_shared>>
    tpu.enqueue_indirect_dma source(%dma_start3A_225 : memref<128x128xf32, #tpu.memory_space<vmem_shared>>) target(%dma_start3A_219 : memref<128x128xf32, #tpu.memory_space<vmem>>) offsets(%dma_start3A_222 : memref<128xi32, #tpu.memory_space<vmem>>) semaphore(%arg8 : memref<!tpu.dma_semaphore, #tpu.memory_space<semaphore_mem>>)
    %dma_start3A_226 = arith.constant 8 : i32
    %dma_start3A_227 = arith.constant 0 : i32
    %dma_start3A_228 = arith.constant 256 : i32
    %dma_start3A_229 = arith.constant 0 : i32
    %dma_start3A_230 = tpu.memref_slice %arg6[%dma_start3A_227, %dma_start3A_228, %dma_start3A_229] : memref<2x384x128xf32, #tpu.memory_space<vmem>> -> memref<1x128x128xf32, #tpu.memory_space<vmem>>
    %dma_start3A_231 = tpu.memref_squeeze %dma_start3A_230 : memref<1x128x128xf32, #tpu.memory_space<vmem>> -> memref<128x128xf32, #tpu.memory_space<vmem>>
    %dma_start3A_232 = arith.constant 0 : i32
    %dma_start3A_233 = tpu.memref_slice %arg5[%dma_start3A_226, %dma_start3A_232] : memref<24x128xi32, #tpu.memory_space<vmem>> -> memref<1x128xi32, #tpu.memory_space<vmem>>
    %dma_start3A_234 = tpu.memref_squeeze %dma_start3A_233 : memref<1x128xi32, #tpu.memory_space<vmem>> -> memref<128xi32, #tpu.memory_space<vmem>>
    %dma_start3A_235 = arith.constant 0 : i32
    %dma_start3A_236 = arith.constant 0 : i32
    %dma_start3A_237 = tpu.memref_slice %arg7[%dma_start3A_235, %dma_start3A_236] : memref<128x128xf32, #tpu.memory_space<vmem_shared>> -> memref<128x128xf32, #tpu.memory_space<vmem_shared>>
    tpu.enqueue_indirect_dma source(%dma_start3A_237 : memref<128x128xf32, #tpu.memory_space<vmem_shared>>) target(%dma_start3A_231 : memref<128x128xf32, #tpu.memory_space<vmem>>) offsets(%dma_start3A_234 : memref<128xi32, #tpu.memory_space<vmem>>) semaphore(%arg8 : memref<!tpu.dma_semaphore, #tpu.memory_space<semaphore_mem>>)
    %dma_wait3A_238 = arith.constant 6 : i32
    %dma_wait3A_239 = arith.constant 0 : i32
    %dma_wait3A_240 = arith.constant 0 : i32
    %dma_wait3A_241 = arith.constant 0 : i32
    %dma_wait3A_242 = tpu.memref_slice %arg6[%dma_wait3A_239, %dma_wait3A_240, %dma_wait3A_241] : memref<2x384x128xf32, #tpu.memory_space<vmem>> -> memref<1x128x128xf32, #tpu.memory_space<vmem>>
    %dma_wait3A_243 = tpu.memref_squeeze %dma_wait3A_242 : memref<1x128x128xf32, #tpu.memory_space<vmem>> -> memref<128x128xf32, #tpu.memory_space<vmem>>
    %dma_wait3A_244 = arith.constant 0 : i32
    %dma_wait3A_245 = tpu.memref_slice %arg5[%dma_wait3A_238, %dma_wait3A_244] : memref<24x128xi32, #tpu.memory_space<vmem>> -> memref<1x128xi32, #tpu.memory_space<vmem>>
    %dma_wait3A_246 = tpu.memref_squeeze %dma_wait3A_245 : memref<1x128xi32, #tpu.memory_space<vmem>> -> memref<128xi32, #tpu.memory_space<vmem>>
    %dma_wait3A_247 = arith.constant 0 : i32
    %dma_wait3A_248 = arith.constant 0 : i32
    %dma_wait3A_249 = tpu.memref_slice %arg7[%dma_wait3A_247, %dma_wait3A_248] : memref<128x128xf32, #tpu.memory_space<vmem_shared>> -> memref<128x128xf32, #tpu.memory_space<vmem_shared>>
    tpu.wait_indirect_dma semaphore(%arg8 : memref<!tpu.dma_semaphore, #tpu.memory_space<semaphore_mem>>) src(%dma_wait3A_249 : memref<128x128xf32, #tpu.memory_space<vmem_shared>>) dst(%dma_wait3A_243 : memref<128x128xf32, #tpu.memory_space<vmem>>)
    %dma_wait3A_250 = arith.constant 7 : i32
    %dma_wait3A_251 = arith.constant 0 : i32
    %dma_wait3A_252 = arith.constant 128 : i32
    %dma_wait3A_253 = arith.constant 0 : i32
    %dma_wait3A_254 = tpu.memref_slice %arg6[%dma_wait3A_251, %dma_wait3A_252, %dma_wait3A_253] : memref<2x384x128xf32, #tpu.memory_space<vmem>> -> memref<1x128x128xf32, #tpu.memory_space<vmem>>
    %dma_wait3A_255 = tpu.memref_squeeze %dma_wait3A_254 : memref<1x128x128xf32, #tpu.memory_space<vmem>> -> memref<128x128xf32, #tpu.memory_space<vmem>>
    %dma_wait3A_256 = arith.constant 0 : i32
    %dma_wait3A_257 = tpu.memref_slice %arg5[%dma_wait3A_250, %dma_wait3A_256] : memref<24x128xi32, #tpu.memory_space<vmem>> -> memref<1x128xi32, #tpu.memory_space<vmem>>
    %dma_wait3A_258 = tpu.memref_squeeze %dma_wait3A_257 : memref<1x128xi32, #tpu.memory_space<vmem>> -> memref<128xi32, #tpu.memory_space<vmem>>
    %dma_wait3A_259 = arith.constant 0 : i32
    %dma_wait3A_260 = arith.constant 0 : i32
    %dma_wait3A_261 = tpu.memref_slice %arg7[%dma_wait3A_259, %dma_wait3A_260] : memref<128x128xf32, #tpu.memory_space<vmem_shared>> -> memref<128x128xf32, #tpu.memory_space<vmem_shared>>
    tpu.wait_indirect_dma semaphore(%arg8 : memref<!tpu.dma_semaphore, #tpu.memory_space<semaphore_mem>>) src(%dma_wait3A_261 : memref<128x128xf32, #tpu.memory_space<vmem_shared>>) dst(%dma_wait3A_255 : memref<128x128xf32, #tpu.memory_space<vmem>>)
    %dma_wait3A_262 = arith.constant 8 : i32
    %dma_wait3A_263 = arith.constant 0 : i32
    %dma_wait3A_264 = arith.constant 256 : i32
    %dma_wait3A_265 = arith.constant 0 : i32
    %dma_wait3A_266 = tpu.memref_slice %arg6[%dma_wait3A_263, %dma_wait3A_264, %dma_wait3A_265] : memref<2x384x128xf32, #tpu.memory_space<vmem>> -> memref<1x128x128xf32, #tpu.memory_space<vmem>>
    %dma_wait3A_267 = tpu.memref_squeeze %dma_wait3A_266 : memref<1x128x128xf32, #tpu.memory_space<vmem>> -> memref<128x128xf32, #tpu.memory_space<vmem>>
    %dma_wait3A_268 = arith.constant 0 : i32
    %dma_wait3A_269 = tpu.memref_slice %arg5[%dma_wait3A_262, %dma_wait3A_268] : memref<24x128xi32, #tpu.memory_space<vmem>> -> memref<1x128xi32, #tpu.memory_space<vmem>>
    %dma_wait3A_270 = tpu.memref_squeeze %dma_wait3A_269 : memref<1x128xi32, #tpu.memory_space<vmem>> -> memref<128xi32, #tpu.memory_space<vmem>>
    %dma_wait3A_271 = arith.constant 0 : i32
    %dma_wait3A_272 = arith.constant 0 : i32
    %dma_wait3A_273 = tpu.memref_slice %arg7[%dma_wait3A_271, %dma_wait3A_272] : memref<128x128xf32, #tpu.memory_space<vmem_shared>> -> memref<128x128xf32, #tpu.memory_space<vmem_shared>>
    tpu.wait_indirect_dma semaphore(%arg8 : memref<!tpu.dma_semaphore, #tpu.memory_space<semaphore_mem>>) src(%dma_wait3A_273 : memref<128x128xf32, #tpu.memory_space<vmem_shared>>) dst(%dma_wait3A_267 : memref<128x128xf32, #tpu.memory_space<vmem>>)
    %mul3A_274 = arith.constant 24 : i32
    %mul3A_275 = arith.muli %add3A, %mul3A_274 : i32
    %mul3A_276 = arith.constant 128 : i32
    %mul3A_277 = arith.muli %mul3A_275, %mul3A_276 : i32
    %add3A_278 = arith.constant 768 : i32
    %add3A_279 = arith.addi %mul3A_277, %add3A_278 : i32
    %dma_start3A_280 = arith.constant 0 : i32
    %dma_start3A_281 = arith.constant 0 : i32
    %dma_start3A_282 = arith.constant 0 : i32
    %dma_start3A_283 = tpu.memref_slice %arg6[%dma_start3A_280, %dma_start3A_281, %dma_start3A_282] : memref<2x384x128xf32, #tpu.memory_space<vmem>> -> memref<1x384x128xf32, #tpu.memory_space<vmem>>
    %dma_start3A_284 = tpu.memref_squeeze %dma_start3A_283 : memref<1x384x128xf32, #tpu.memory_space<vmem>> -> memref<384x128xf32, #tpu.memory_space<vmem>>
    %dma_start3A_285 = tpu.memref_reshape %arg4 : memref<4096x24x128xf32, #tpu.memory_space<hbm>> -> memref<98304x128xf32, #tpu.memory_space<hbm>>
    %dma_start3A_286 = arith.constant 0 : i32
    %dma_start3A_287 = tpu.memref_slice %dma_start3A_285[%add3A_279, %dma_start3A_286] : memref<98304x128xf32, #tpu.memory_space<hbm>> -> memref<384x128xf32, #tpu.memory_space<hbm>>
    %dma_start3A_288 = tpu.memref_reshape %arg4 : memref<4096x24x128xf32, #tpu.memory_space<hbm>> -> memref<98304x128xf32, #tpu.memory_space<hbm>>
    %dma_start3A_289 = arith.constant 0 : i32
    %dma_start3A_290 = tpu.memref_slice %dma_start3A_288[%add3A_279, %dma_start3A_289] : memref<98304x128xf32, #tpu.memory_space<hbm>> -> memref<384x128xf32, #tpu.memory_space<hbm>>
    %dma_start3A_291 = arith.constant 0 : i32
    %dma_start3A_292 = arith.constant 0 : i32
    %dma_start3A_293 = tpu.memref_slice %arg6[%dma_start3A_280, %dma_start3A_291, %dma_start3A_292] : memref<2x384x128xf32, #tpu.memory_space<vmem>> -> memref<1x384x128xf32, #tpu.memory_space<vmem>>
    %dma_start3A_294 = tpu.memref_squeeze %dma_start3A_293 : memref<1x384x128xf32, #tpu.memory_space<vmem>> -> memref<384x128xf32, #tpu.memory_space<vmem>>
    tpu.enqueue_dma source(%dma_start3A_294 : memref<384x128xf32, #tpu.memory_space<vmem>>) target(%dma_start3A_290 : memref<384x128xf32, #tpu.memory_space<hbm>>) target_semaphore(%arg10 : memref<!tpu.dma_semaphore, #tpu.memory_space<semaphore_mem>>)
    %dma_wait3A_295 = arith.constant 1 : i32
    %dma_wait3A_296 = arith.constant 0 : i32
    %dma_wait3A_297 = arith.constant 0 : i32
    %dma_wait3A_298 = tpu.memref_slice %arg6[%dma_wait3A_295, %dma_wait3A_296, %dma_wait3A_297] : memref<2x384x128xf32, #tpu.memory_space<vmem>> -> memref<1x384x128xf32, #tpu.memory_space<vmem>>
    %dma_wait3A_299 = tpu.memref_squeeze %dma_wait3A_298 : memref<1x384x128xf32, #tpu.memory_space<vmem>> -> memref<384x128xf32, #tpu.memory_space<vmem>>
    %dma_wait3A_300 = tpu.memref_reshape %arg4 : memref<4096x24x128xf32, #tpu.memory_space<hbm>> -> memref<98304x128xf32, #tpu.memory_space<hbm>>
    %dma_wait3A_301 = arith.constant 0 : i32
    %dma_wait3A_302 = tpu.memref_slice %dma_wait3A_300[%add3A_171, %dma_wait3A_301] : memref<98304x128xf32, #tpu.memory_space<hbm>> -> memref<384x128xf32, #tpu.memory_space<hbm>>
    %dma_wait3A_303 = tpu.memref_reshape %arg4 : memref<4096x24x128xf32, #tpu.memory_space<hbm>> -> memref<98304x128xf32, #tpu.memory_space<hbm>>
    %dma_wait3A_304 = arith.constant 0 : i32
    %dma_wait3A_305 = tpu.memref_slice %dma_wait3A_303[%add3A_171, %dma_wait3A_304] : memref<98304x128xf32, #tpu.memory_space<hbm>> -> memref<384x128xf32, #tpu.memory_space<hbm>>
    %dma_wait3A_306 = arith.constant 0 : i32
    %dma_wait3A_307 = arith.constant 0 : i32
    %dma_wait3A_308 = tpu.memref_slice %arg6[%dma_wait3A_295, %dma_wait3A_306, %dma_wait3A_307] : memref<2x384x128xf32, #tpu.memory_space<vmem>> -> memref<1x384x128xf32, #tpu.memory_space<vmem>>
    %dma_wait3A_309 = tpu.memref_squeeze %dma_wait3A_308 : memref<1x384x128xf32, #tpu.memory_space<vmem>> -> memref<384x128xf32, #tpu.memory_space<vmem>>
    tpu.wait_dma2 semaphore(%arg10 : memref<!tpu.dma_semaphore, #tpu.memory_space<semaphore_mem>>) src(%dma_wait3A_309 : memref<384x128xf32, #tpu.memory_space<vmem>>) dst(%dma_wait3A_305 : memref<384x128xf32, #tpu.memory_space<hbm>>)
    %dma_start3A_310 = arith.constant 9 : i32
    %dma_start3A_311 = arith.constant 1 : i32
    %dma_start3A_312 = arith.constant 0 : i32
    %dma_start3A_313 = arith.constant 0 : i32
    %dma_start3A_314 = tpu.memref_slice %arg6[%dma_start3A_311, %dma_start3A_312, %dma_start3A_313] : memref<2x384x128xf32, #tpu.memory_space<vmem>> -> memref<1x128x128xf32, #tpu.memory_space<vmem>>
    %dma_start3A_315 = tpu.memref_squeeze %dma_start3A_314 : memref<1x128x128xf32, #tpu.memory_space<vmem>> -> memref<128x128xf32, #tpu.memory_space<vmem>>
    %dma_start3A_316 = arith.constant 0 : i32
    %dma_start3A_317 = tpu.memref_slice %arg5[%dma_start3A_310, %dma_start3A_316] : memref<24x128xi32, #tpu.memory_space<vmem>> -> memref<1x128xi32, #tpu.memory_space<vmem>>
    %dma_start3A_318 = tpu.memref_squeeze %dma_start3A_317 : memref<1x128xi32, #tpu.memory_space<vmem>> -> memref<128xi32, #tpu.memory_space<vmem>>
    %dma_start3A_319 = arith.constant 0 : i32
    %dma_start3A_320 = arith.constant 0 : i32
    %dma_start3A_321 = tpu.memref_slice %arg7[%dma_start3A_319, %dma_start3A_320] : memref<128x128xf32, #tpu.memory_space<vmem_shared>> -> memref<128x128xf32, #tpu.memory_space<vmem_shared>>
    tpu.enqueue_indirect_dma source(%dma_start3A_321 : memref<128x128xf32, #tpu.memory_space<vmem_shared>>) target(%dma_start3A_315 : memref<128x128xf32, #tpu.memory_space<vmem>>) offsets(%dma_start3A_318 : memref<128xi32, #tpu.memory_space<vmem>>) semaphore(%arg9 : memref<!tpu.dma_semaphore, #tpu.memory_space<semaphore_mem>>)
    %dma_start3A_322 = arith.constant 10 : i32
    %dma_start3A_323 = arith.constant 1 : i32
    %dma_start3A_324 = arith.constant 128 : i32
    %dma_start3A_325 = arith.constant 0 : i32
    %dma_start3A_326 = tpu.memref_slice %arg6[%dma_start3A_323, %dma_start3A_324, %dma_start3A_325] : memref<2x384x128xf32, #tpu.memory_space<vmem>> -> memref<1x128x128xf32, #tpu.memory_space<vmem>>
    %dma_start3A_327 = tpu.memref_squeeze %dma_start3A_326 : memref<1x128x128xf32, #tpu.memory_space<vmem>> -> memref<128x128xf32, #tpu.memory_space<vmem>>
    %dma_start3A_328 = arith.constant 0 : i32
    %dma_start3A_329 = tpu.memref_slice %arg5[%dma_start3A_322, %dma_start3A_328] : memref<24x128xi32, #tpu.memory_space<vmem>> -> memref<1x128xi32, #tpu.memory_space<vmem>>
    %dma_start3A_330 = tpu.memref_squeeze %dma_start3A_329 : memref<1x128xi32, #tpu.memory_space<vmem>> -> memref<128xi32, #tpu.memory_space<vmem>>
    %dma_start3A_331 = arith.constant 0 : i32
    %dma_start3A_332 = arith.constant 0 : i32
    %dma_start3A_333 = tpu.memref_slice %arg7[%dma_start3A_331, %dma_start3A_332] : memref<128x128xf32, #tpu.memory_space<vmem_shared>> -> memref<128x128xf32, #tpu.memory_space<vmem_shared>>
    tpu.enqueue_indirect_dma source(%dma_start3A_333 : memref<128x128xf32, #tpu.memory_space<vmem_shared>>) target(%dma_start3A_327 : memref<128x128xf32, #tpu.memory_space<vmem>>) offsets(%dma_start3A_330 : memref<128xi32, #tpu.memory_space<vmem>>) semaphore(%arg9 : memref<!tpu.dma_semaphore, #tpu.memory_space<semaphore_mem>>)
    %dma_start3A_334 = arith.constant 11 : i32
    %dma_start3A_335 = arith.constant 1 : i32
    %dma_start3A_336 = arith.constant 256 : i32
    %dma_start3A_337 = arith.constant 0 : i32
    %dma_start3A_338 = tpu.memref_slice %arg6[%dma_start3A_335, %dma_start3A_336, %dma_start3A_337] : memref<2x384x128xf32, #tpu.memory_space<vmem>> -> memref<1x128x128xf32, #tpu.memory_space<vmem>>
    %dma_start3A_339 = tpu.memref_squeeze %dma_start3A_338 : memref<1x128x128xf32, #tpu.memory_space<vmem>> -> memref<128x128xf32, #tpu.memory_space<vmem>>
    %dma_start3A_340 = arith.constant 0 : i32
    %dma_start3A_341 = tpu.memref_slice %arg5[%dma_start3A_334, %dma_start3A_340] : memref<24x128xi32, #tpu.memory_space<vmem>> -> memref<1x128xi32, #tpu.memory_space<vmem>>
    %dma_start3A_342 = tpu.memref_squeeze %dma_start3A_341 : memref<1x128xi32, #tpu.memory_space<vmem>> -> memref<128xi32, #tpu.memory_space<vmem>>
    %dma_start3A_343 = arith.constant 0 : i32
    %dma_start3A_344 = arith.constant 0 : i32
    %dma_start3A_345 = tpu.memref_slice %arg7[%dma_start3A_343, %dma_start3A_344] : memref<128x128xf32, #tpu.memory_space<vmem_shared>> -> memref<128x128xf32, #tpu.memory_space<vmem_shared>>
    tpu.enqueue_indirect_dma source(%dma_start3A_345 : memref<128x128xf32, #tpu.memory_space<vmem_shared>>) target(%dma_start3A_339 : memref<128x128xf32, #tpu.memory_space<vmem>>) offsets(%dma_start3A_342 : memref<128xi32, #tpu.memory_space<vmem>>) semaphore(%arg9 : memref<!tpu.dma_semaphore, #tpu.memory_space<semaphore_mem>>)
    %dma_wait3A_346 = arith.constant 9 : i32
    %dma_wait3A_347 = arith.constant 1 : i32
    %dma_wait3A_348 = arith.constant 0 : i32
    %dma_wait3A_349 = arith.constant 0 : i32
    %dma_wait3A_350 = tpu.memref_slice %arg6[%dma_wait3A_347, %dma_wait3A_348, %dma_wait3A_349] : memref<2x384x128xf32, #tpu.memory_space<vmem>> -> memref<1x128x128xf32, #tpu.memory_space<vmem>>
    %dma_wait3A_351 = tpu.memref_squeeze %dma_wait3A_350 : memref<1x128x128xf32, #tpu.memory_space<vmem>> -> memref<128x128xf32, #tpu.memory_space<vmem>>
    %dma_wait3A_352 = arith.constant 0 : i32
    %dma_wait3A_353 = tpu.memref_slice %arg5[%dma_wait3A_346, %dma_wait3A_352] : memref<24x128xi32, #tpu.memory_space<vmem>> -> memref<1x128xi32, #tpu.memory_space<vmem>>
    %dma_wait3A_354 = tpu.memref_squeeze %dma_wait3A_353 : memref<1x128xi32, #tpu.memory_space<vmem>> -> memref<128xi32, #tpu.memory_space<vmem>>
    %dma_wait3A_355 = arith.constant 0 : i32
    %dma_wait3A_356 = arith.constant 0 : i32
    %dma_wait3A_357 = tpu.memref_slice %arg7[%dma_wait3A_355, %dma_wait3A_356] : memref<128x128xf32, #tpu.memory_space<vmem_shared>> -> memref<128x128xf32, #tpu.memory_space<vmem_shared>>
    tpu.wait_indirect_dma semaphore(%arg9 : memref<!tpu.dma_semaphore, #tpu.memory_space<semaphore_mem>>) src(%dma_wait3A_357 : memref<128x128xf32, #tpu.memory_space<vmem_shared>>) dst(%dma_wait3A_351 : memref<128x128xf32, #tpu.memory_space<vmem>>)
    %dma_wait3A_358 = arith.constant 10 : i32
    %dma_wait3A_359 = arith.constant 1 : i32
    %dma_wait3A_360 = arith.constant 128 : i32
    %dma_wait3A_361 = arith.constant 0 : i32
    %dma_wait3A_362 = tpu.memref_slice %arg6[%dma_wait3A_359, %dma_wait3A_360, %dma_wait3A_361] : memref<2x384x128xf32, #tpu.memory_space<vmem>> -> memref<1x128x128xf32, #tpu.memory_space<vmem>>
    %dma_wait3A_363 = tpu.memref_squeeze %dma_wait3A_362 : memref<1x128x128xf32, #tpu.memory_space<vmem>> -> memref<128x128xf32, #tpu.memory_space<vmem>>
    %dma_wait3A_364 = arith.constant 0 : i32
    %dma_wait3A_365 = tpu.memref_slice %arg5[%dma_wait3A_358, %dma_wait3A_364] : memref<24x128xi32, #tpu.memory_space<vmem>> -> memref<1x128xi32, #tpu.memory_space<vmem>>
    %dma_wait3A_366 = tpu.memref_squeeze %dma_wait3A_365 : memref<1x128xi32, #tpu.memory_space<vmem>> -> memref<128xi32, #tpu.memory_space<vmem>>
    %dma_wait3A_367 = arith.constant 0 : i32
    %dma_wait3A_368 = arith.constant 0 : i32
    %dma_wait3A_369 = tpu.memref_slice %arg7[%dma_wait3A_367, %dma_wait3A_368] : memref<128x128xf32, #tpu.memory_space<vmem_shared>> -> memref<128x128xf32, #tpu.memory_space<vmem_shared>>
    tpu.wait_indirect_dma semaphore(%arg9 : memref<!tpu.dma_semaphore, #tpu.memory_space<semaphore_mem>>) src(%dma_wait3A_369 : memref<128x128xf32, #tpu.memory_space<vmem_shared>>) dst(%dma_wait3A_363 : memref<128x128xf32, #tpu.memory_space<vmem>>)
    %dma_wait3A_370 = arith.constant 11 : i32
    %dma_wait3A_371 = arith.constant 1 : i32
    %dma_wait3A_372 = arith.constant 256 : i32
    %dma_wait3A_373 = arith.constant 0 : i32
    %dma_wait3A_374 = tpu.memref_slice %arg6[%dma_wait3A_371, %dma_wait3A_372, %dma_wait3A_373] : memref<2x384x128xf32, #tpu.memory_space<vmem>> -> memref<1x128x128xf32, #tpu.memory_space<vmem>>
    %dma_wait3A_375 = tpu.memref_squeeze %dma_wait3A_374 : memref<1x128x128xf32, #tpu.memory_space<vmem>> -> memref<128x128xf32, #tpu.memory_space<vmem>>
    %dma_wait3A_376 = arith.constant 0 : i32
    %dma_wait3A_377 = tpu.memref_slice %arg5[%dma_wait3A_370, %dma_wait3A_376] : memref<24x128xi32, #tpu.memory_space<vmem>> -> memref<1x128xi32, #tpu.memory_space<vmem>>
    %dma_wait3A_378 = tpu.memref_squeeze %dma_wait3A_377 : memref<1x128xi32, #tpu.memory_space<vmem>> -> memref<128xi32, #tpu.memory_space<vmem>>
    %dma_wait3A_379 = arith.constant 0 : i32
    %dma_wait3A_380 = arith.constant 0 : i32
    %dma_wait3A_381 = tpu.memref_slice %arg7[%dma_wait3A_379, %dma_wait3A_380] : memref<128x128xf32, #tpu.memory_space<vmem_shared>> -> memref<128x128xf32, #tpu.memory_space<vmem_shared>>
    tpu.wait_indirect_dma semaphore(%arg9 : memref<!tpu.dma_semaphore, #tpu.memory_space<semaphore_mem>>) src(%dma_wait3A_381 : memref<128x128xf32, #tpu.memory_space<vmem_shared>>) dst(%dma_wait3A_375 : memref<128x128xf32, #tpu.memory_space<vmem>>)
    %mul3A_382 = arith.constant 24 : i32
    %mul3A_383 = arith.muli %add3A, %mul3A_382 : i32
    %mul3A_384 = arith.constant 128 : i32
    %mul3A_385 = arith.muli %mul3A_383, %mul3A_384 : i32
    %add3A_386 = arith.constant 1152 : i32
    %add3A_387 = arith.addi %mul3A_385, %add3A_386 : i32
    %dma_start3A_388 = arith.constant 1 : i32
    %dma_start3A_389 = arith.constant 0 : i32
    %dma_start3A_390 = arith.constant 0 : i32
    %dma_start3A_391 = tpu.memref_slice %arg6[%dma_start3A_388, %dma_start3A_389, %dma_start3A_390] : memref<2x384x128xf32, #tpu.memory_space<vmem>> -> memref<1x384x128xf32, #tpu.memory_space<vmem>>
    %dma_start3A_392 = tpu.memref_squeeze %dma_start3A_391 : memref<1x384x128xf32, #tpu.memory_space<vmem>> -> memref<384x128xf32, #tpu.memory_space<vmem>>
    %dma_start3A_393 = tpu.memref_reshape %arg4 : memref<4096x24x128xf32, #tpu.memory_space<hbm>> -> memref<98304x128xf32, #tpu.memory_space<hbm>>
    %dma_start3A_394 = arith.constant 0 : i32
    %dma_start3A_395 = tpu.memref_slice %dma_start3A_393[%add3A_387, %dma_start3A_394] : memref<98304x128xf32, #tpu.memory_space<hbm>> -> memref<384x128xf32, #tpu.memory_space<hbm>>
    %dma_start3A_396 = tpu.memref_reshape %arg4 : memref<4096x24x128xf32, #tpu.memory_space<hbm>> -> memref<98304x128xf32, #tpu.memory_space<hbm>>
    %dma_start3A_397 = arith.constant 0 : i32
    %dma_start3A_398 = tpu.memref_slice %dma_start3A_396[%add3A_387, %dma_start3A_397] : memref<98304x128xf32, #tpu.memory_space<hbm>> -> memref<384x128xf32, #tpu.memory_space<hbm>>
    %dma_start3A_399 = arith.constant 0 : i32
    %dma_start3A_400 = arith.constant 0 : i32
    %dma_start3A_401 = tpu.memref_slice %arg6[%dma_start3A_388, %dma_start3A_399, %dma_start3A_400] : memref<2x384x128xf32, #tpu.memory_space<vmem>> -> memref<1x384x128xf32, #tpu.memory_space<vmem>>
    %dma_start3A_402 = tpu.memref_squeeze %dma_start3A_401 : memref<1x384x128xf32, #tpu.memory_space<vmem>> -> memref<384x128xf32, #tpu.memory_space<vmem>>
    tpu.enqueue_dma source(%dma_start3A_402 : memref<384x128xf32, #tpu.memory_space<vmem>>) target(%dma_start3A_398 : memref<384x128xf32, #tpu.memory_space<hbm>>) target_semaphore(%arg10 : memref<!tpu.dma_semaphore, #tpu.memory_space<semaphore_mem>>)
    %dma_wait3A_403 = arith.constant 0 : i32
    %dma_wait3A_404 = arith.constant 0 : i32
    %dma_wait3A_405 = arith.constant 0 : i32
    %dma_wait3A_406 = tpu.memref_slice %arg6[%dma_wait3A_403, %dma_wait3A_404, %dma_wait3A_405] : memref<2x384x128xf32, #tpu.memory_space<vmem>> -> memref<1x384x128xf32, #tpu.memory_space<vmem>>
    %dma_wait3A_407 = tpu.memref_squeeze %dma_wait3A_406 : memref<1x384x128xf32, #tpu.memory_space<vmem>> -> memref<384x128xf32, #tpu.memory_space<vmem>>
    %dma_wait3A_408 = tpu.memref_reshape %arg4 : memref<4096x24x128xf32, #tpu.memory_space<hbm>> -> memref<98304x128xf32, #tpu.memory_space<hbm>>
    %dma_wait3A_409 = arith.constant 0 : i32
    %dma_wait3A_410 = tpu.memref_slice %dma_wait3A_408[%add3A_279, %dma_wait3A_409] : memref<98304x128xf32, #tpu.memory_space<hbm>> -> memref<384x128xf32, #tpu.memory_space<hbm>>
    %dma_wait3A_411 = tpu.memref_reshape %arg4 : memref<4096x24x128xf32, #tpu.memory_space<hbm>> -> memref<98304x128xf32, #tpu.memory_space<hbm>>
    %dma_wait3A_412 = arith.constant 0 : i32
    %dma_wait3A_413 = tpu.memref_slice %dma_wait3A_411[%add3A_279, %dma_wait3A_412] : memref<98304x128xf32, #tpu.memory_space<hbm>> -> memref<384x128xf32, #tpu.memory_space<hbm>>
    %dma_wait3A_414 = arith.constant 0 : i32
    %dma_wait3A_415 = arith.constant 0 : i32
    %dma_wait3A_416 = tpu.memref_slice %arg6[%dma_wait3A_403, %dma_wait3A_414, %dma_wait3A_415] : memref<2x384x128xf32, #tpu.memory_space<vmem>> -> memref<1x384x128xf32, #tpu.memory_space<vmem>>
    %dma_wait3A_417 = tpu.memref_squeeze %dma_wait3A_416 : memref<1x384x128xf32, #tpu.memory_space<vmem>> -> memref<384x128xf32, #tpu.memory_space<vmem>>
    tpu.wait_dma2 semaphore(%arg10 : memref<!tpu.dma_semaphore, #tpu.memory_space<semaphore_mem>>) src(%dma_wait3A_417 : memref<384x128xf32, #tpu.memory_space<vmem>>) dst(%dma_wait3A_413 : memref<384x128xf32, #tpu.memory_space<hbm>>)
    %dma_start3A_418 = arith.constant 12 : i32
    %dma_start3A_419 = arith.constant 0 : i32
    %dma_start3A_420 = arith.constant 0 : i32
    %dma_start3A_421 = arith.constant 0 : i32
    %dma_start3A_422 = tpu.memref_slice %arg6[%dma_start3A_419, %dma_start3A_420, %dma_start3A_421] : memref<2x384x128xf32, #tpu.memory_space<vmem>> -> memref<1x128x128xf32, #tpu.memory_space<vmem>>
    %dma_start3A_423 = tpu.memref_squeeze %dma_start3A_422 : memref<1x128x128xf32, #tpu.memory_space<vmem>> -> memref<128x128xf32, #tpu.memory_space<vmem>>
    %dma_start3A_424 = arith.constant 0 : i32
    %dma_start3A_425 = tpu.memref_slice %arg5[%dma_start3A_418, %dma_start3A_424] : memref<24x128xi32, #tpu.memory_space<vmem>> -> memref<1x128xi32, #tpu.memory_space<vmem>>
    %dma_start3A_426 = tpu.memref_squeeze %dma_start3A_425 : memref<1x128xi32, #tpu.memory_space<vmem>> -> memref<128xi32, #tpu.memory_space<vmem>>
    %dma_start3A_427 = arith.constant 0 : i32
    %dma_start3A_428 = arith.constant 0 : i32
    %dma_start3A_429 = tpu.memref_slice %arg7[%dma_start3A_427, %dma_start3A_428] : memref<128x128xf32, #tpu.memory_space<vmem_shared>> -> memref<128x128xf32, #tpu.memory_space<vmem_shared>>
    tpu.enqueue_indirect_dma source(%dma_start3A_429 : memref<128x128xf32, #tpu.memory_space<vmem_shared>>) target(%dma_start3A_423 : memref<128x128xf32, #tpu.memory_space<vmem>>) offsets(%dma_start3A_426 : memref<128xi32, #tpu.memory_space<vmem>>) semaphore(%arg8 : memref<!tpu.dma_semaphore, #tpu.memory_space<semaphore_mem>>)
    %dma_start3A_430 = arith.constant 13 : i32
    %dma_start3A_431 = arith.constant 0 : i32
    %dma_start3A_432 = arith.constant 128 : i32
    %dma_start3A_433 = arith.constant 0 : i32
    %dma_start3A_434 = tpu.memref_slice %arg6[%dma_start3A_431, %dma_start3A_432, %dma_start3A_433] : memref<2x384x128xf32, #tpu.memory_space<vmem>> -> memref<1x128x128xf32, #tpu.memory_space<vmem>>
    %dma_start3A_435 = tpu.memref_squeeze %dma_start3A_434 : memref<1x128x128xf32, #tpu.memory_space<vmem>> -> memref<128x128xf32, #tpu.memory_space<vmem>>
    %dma_start3A_436 = arith.constant 0 : i32
    %dma_start3A_437 = tpu.memref_slice %arg5[%dma_start3A_430, %dma_start3A_436] : memref<24x128xi32, #tpu.memory_space<vmem>> -> memref<1x128xi32, #tpu.memory_space<vmem>>
    %dma_start3A_438 = tpu.memref_squeeze %dma_start3A_437 : memref<1x128xi32, #tpu.memory_space<vmem>> -> memref<128xi32, #tpu.memory_space<vmem>>
    %dma_start3A_439 = arith.constant 0 : i32
    %dma_start3A_440 = arith.constant 0 : i32
    %dma_start3A_441 = tpu.memref_slice %arg7[%dma_start3A_439, %dma_start3A_440] : memref<128x128xf32, #tpu.memory_space<vmem_shared>> -> memref<128x128xf32, #tpu.memory_space<vmem_shared>>
    tpu.enqueue_indirect_dma source(%dma_start3A_441 : memref<128x128xf32, #tpu.memory_space<vmem_shared>>) target(%dma_start3A_435 : memref<128x128xf32, #tpu.memory_space<vmem>>) offsets(%dma_start3A_438 : memref<128xi32, #tpu.memory_space<vmem>>) semaphore(%arg8 : memref<!tpu.dma_semaphore, #tpu.memory_space<semaphore_mem>>)
    %dma_start3A_442 = arith.constant 14 : i32
    %dma_start3A_443 = arith.constant 0 : i32
    %dma_start3A_444 = arith.constant 256 : i32
    %dma_start3A_445 = arith.constant 0 : i32
    %dma_start3A_446 = tpu.memref_slice %arg6[%dma_start3A_443, %dma_start3A_444, %dma_start3A_445] : memref<2x384x128xf32, #tpu.memory_space<vmem>> -> memref<1x128x128xf32, #tpu.memory_space<vmem>>
    %dma_start3A_447 = tpu.memref_squeeze %dma_start3A_446 : memref<1x128x128xf32, #tpu.memory_space<vmem>> -> memref<128x128xf32, #tpu.memory_space<vmem>>
    %dma_start3A_448 = arith.constant 0 : i32
    %dma_start3A_449 = tpu.memref_slice %arg5[%dma_start3A_442, %dma_start3A_448] : memref<24x128xi32, #tpu.memory_space<vmem>> -> memref<1x128xi32, #tpu.memory_space<vmem>>
    %dma_start3A_450 = tpu.memref_squeeze %dma_start3A_449 : memref<1x128xi32, #tpu.memory_space<vmem>> -> memref<128xi32, #tpu.memory_space<vmem>>
    %dma_start3A_451 = arith.constant 0 : i32
    %dma_start3A_452 = arith.constant 0 : i32
    %dma_start3A_453 = tpu.memref_slice %arg7[%dma_start3A_451, %dma_start3A_452] : memref<128x128xf32, #tpu.memory_space<vmem_shared>> -> memref<128x128xf32, #tpu.memory_space<vmem_shared>>
    tpu.enqueue_indirect_dma source(%dma_start3A_453 : memref<128x128xf32, #tpu.memory_space<vmem_shared>>) target(%dma_start3A_447 : memref<128x128xf32, #tpu.memory_space<vmem>>) offsets(%dma_start3A_450 : memref<128xi32, #tpu.memory_space<vmem>>) semaphore(%arg8 : memref<!tpu.dma_semaphore, #tpu.memory_space<semaphore_mem>>)
    %dma_wait3A_454 = arith.constant 12 : i32
    %dma_wait3A_455 = arith.constant 0 : i32
    %dma_wait3A_456 = arith.constant 0 : i32
    %dma_wait3A_457 = arith.constant 0 : i32
    %dma_wait3A_458 = tpu.memref_slice %arg6[%dma_wait3A_455, %dma_wait3A_456, %dma_wait3A_457] : memref<2x384x128xf32, #tpu.memory_space<vmem>> -> memref<1x128x128xf32, #tpu.memory_space<vmem>>
    %dma_wait3A_459 = tpu.memref_squeeze %dma_wait3A_458 : memref<1x128x128xf32, #tpu.memory_space<vmem>> -> memref<128x128xf32, #tpu.memory_space<vmem>>
    %dma_wait3A_460 = arith.constant 0 : i32
    %dma_wait3A_461 = tpu.memref_slice %arg5[%dma_wait3A_454, %dma_wait3A_460] : memref<24x128xi32, #tpu.memory_space<vmem>> -> memref<1x128xi32, #tpu.memory_space<vmem>>
    %dma_wait3A_462 = tpu.memref_squeeze %dma_wait3A_461 : memref<1x128xi32, #tpu.memory_space<vmem>> -> memref<128xi32, #tpu.memory_space<vmem>>
    %dma_wait3A_463 = arith.constant 0 : i32
    %dma_wait3A_464 = arith.constant 0 : i32
    %dma_wait3A_465 = tpu.memref_slice %arg7[%dma_wait3A_463, %dma_wait3A_464] : memref<128x128xf32, #tpu.memory_space<vmem_shared>> -> memref<128x128xf32, #tpu.memory_space<vmem_shared>>
    tpu.wait_indirect_dma semaphore(%arg8 : memref<!tpu.dma_semaphore, #tpu.memory_space<semaphore_mem>>) src(%dma_wait3A_465 : memref<128x128xf32, #tpu.memory_space<vmem_shared>>) dst(%dma_wait3A_459 : memref<128x128xf32, #tpu.memory_space<vmem>>)
    %dma_wait3A_466 = arith.constant 13 : i32
    %dma_wait3A_467 = arith.constant 0 : i32
    %dma_wait3A_468 = arith.constant 128 : i32
    %dma_wait3A_469 = arith.constant 0 : i32
    %dma_wait3A_470 = tpu.memref_slice %arg6[%dma_wait3A_467, %dma_wait3A_468, %dma_wait3A_469] : memref<2x384x128xf32, #tpu.memory_space<vmem>> -> memref<1x128x128xf32, #tpu.memory_space<vmem>>
    %dma_wait3A_471 = tpu.memref_squeeze %dma_wait3A_470 : memref<1x128x128xf32, #tpu.memory_space<vmem>> -> memref<128x128xf32, #tpu.memory_space<vmem>>
    %dma_wait3A_472 = arith.constant 0 : i32
    %dma_wait3A_473 = tpu.memref_slice %arg5[%dma_wait3A_466, %dma_wait3A_472] : memref<24x128xi32, #tpu.memory_space<vmem>> -> memref<1x128xi32, #tpu.memory_space<vmem>>
    %dma_wait3A_474 = tpu.memref_squeeze %dma_wait3A_473 : memref<1x128xi32, #tpu.memory_space<vmem>> -> memref<128xi32, #tpu.memory_space<vmem>>
    %dma_wait3A_475 = arith.constant 0 : i32
    %dma_wait3A_476 = arith.constant 0 : i32
    %dma_wait3A_477 = tpu.memref_slice %arg7[%dma_wait3A_475, %dma_wait3A_476] : memref<128x128xf32, #tpu.memory_space<vmem_shared>> -> memref<128x128xf32, #tpu.memory_space<vmem_shared>>
    tpu.wait_indirect_dma semaphore(%arg8 : memref<!tpu.dma_semaphore, #tpu.memory_space<semaphore_mem>>) src(%dma_wait3A_477 : memref<128x128xf32, #tpu.memory_space<vmem_shared>>) dst(%dma_wait3A_471 : memref<128x128xf32, #tpu.memory_space<vmem>>)
    %dma_wait3A_478 = arith.constant 14 : i32
    %dma_wait3A_479 = arith.constant 0 : i32
    %dma_wait3A_480 = arith.constant 256 : i32
    %dma_wait3A_481 = arith.constant 0 : i32
    %dma_wait3A_482 = tpu.memref_slice %arg6[%dma_wait3A_479, %dma_wait3A_480, %dma_wait3A_481] : memref<2x384x128xf32, #tpu.memory_space<vmem>> -> memref<1x128x128xf32, #tpu.memory_space<vmem>>
    %dma_wait3A_483 = tpu.memref_squeeze %dma_wait3A_482 : memref<1x128x128xf32, #tpu.memory_space<vmem>> -> memref<128x128xf32, #tpu.memory_space<vmem>>
    %dma_wait3A_484 = arith.constant 0 : i32
    %dma_wait3A_485 = tpu.memref_slice %arg5[%dma_wait3A_478, %dma_wait3A_484] : memref<24x128xi32, #tpu.memory_space<vmem>> -> memref<1x128xi32, #tpu.memory_space<vmem>>
    %dma_wait3A_486 = tpu.memref_squeeze %dma_wait3A_485 : memref<1x128xi32, #tpu.memory_space<vmem>> -> memref<128xi32, #tpu.memory_space<vmem>>
    %dma_wait3A_487 = arith.constant 0 : i32
    %dma_wait3A_488 = arith.constant 0 : i32
    %dma_wait3A_489 = tpu.memref_slice %arg7[%dma_wait3A_487, %dma_wait3A_488] : memref<128x128xf32, #tpu.memory_space<vmem_shared>> -> memref<128x128xf32, #tpu.memory_space<vmem_shared>>
    tpu.wait_indirect_dma semaphore(%arg8 : memref<!tpu.dma_semaphore, #tpu.memory_space<semaphore_mem>>) src(%dma_wait3A_489 : memref<128x128xf32, #tpu.memory_space<vmem_shared>>) dst(%dma_wait3A_483 : memref<128x128xf32, #tpu.memory_space<vmem>>)
    %mul3A_490 = arith.constant 24 : i32
    %mul3A_491 = arith.muli %add3A, %mul3A_490 : i32
    %mul3A_492 = arith.constant 128 : i32
    %mul3A_493 = arith.muli %mul3A_491, %mul3A_492 : i32
    %add3A_494 = arith.constant 1536 : i32
    %add3A_495 = arith.addi %mul3A_493, %add3A_494 : i32
    %dma_start3A_496 = arith.constant 0 : i32
    %dma_start3A_497 = arith.constant 0 : i32
    %dma_start3A_498 = arith.constant 0 : i32
    %dma_start3A_499 = tpu.memref_slice %arg6[%dma_start3A_496, %dma_start3A_497, %dma_start3A_498] : memref<2x384x128xf32, #tpu.memory_space<vmem>> -> memref<1x384x128xf32, #tpu.memory_space<vmem>>
    %dma_start3A_500 = tpu.memref_squeeze %dma_start3A_499 : memref<1x384x128xf32, #tpu.memory_space<vmem>> -> memref<384x128xf32, #tpu.memory_space<vmem>>
    %dma_start3A_501 = tpu.memref_reshape %arg4 : memref<4096x24x128xf32, #tpu.memory_space<hbm>> -> memref<98304x128xf32, #tpu.memory_space<hbm>>
    %dma_start3A_502 = arith.constant 0 : i32
    %dma_start3A_503 = tpu.memref_slice %dma_start3A_501[%add3A_495, %dma_start3A_502] : memref<98304x128xf32, #tpu.memory_space<hbm>> -> memref<384x128xf32, #tpu.memory_space<hbm>>
    %dma_start3A_504 = tpu.memref_reshape %arg4 : memref<4096x24x128xf32, #tpu.memory_space<hbm>> -> memref<98304x128xf32, #tpu.memory_space<hbm>>
    %dma_start3A_505 = arith.constant 0 : i32
    %dma_start3A_506 = tpu.memref_slice %dma_start3A_504[%add3A_495, %dma_start3A_505] : memref<98304x128xf32, #tpu.memory_space<hbm>> -> memref<384x128xf32, #tpu.memory_space<hbm>>
    %dma_start3A_507 = arith.constant 0 : i32
    %dma_start3A_508 = arith.constant 0 : i32
    %dma_start3A_509 = tpu.memref_slice %arg6[%dma_start3A_496, %dma_start3A_507, %dma_start3A_508] : memref<2x384x128xf32, #tpu.memory_space<vmem>> -> memref<1x384x128xf32, #tpu.memory_space<vmem>>
    %dma_start3A_510 = tpu.memref_squeeze %dma_start3A_509 : memref<1x384x128xf32, #tpu.memory_space<vmem>> -> memref<384x128xf32, #tpu.memory_space<vmem>>
    tpu.enqueue_dma source(%dma_start3A_510 : memref<384x128xf32, #tpu.memory_space<vmem>>) target(%dma_start3A_506 : memref<384x128xf32, #tpu.memory_space<hbm>>) target_semaphore(%arg10 : memref<!tpu.dma_semaphore, #tpu.memory_space<semaphore_mem>>)
    %dma_wait3A_511 = arith.constant 1 : i32
    %dma_wait3A_512 = arith.constant 0 : i32
    %dma_wait3A_513 = arith.constant 0 : i32
    %dma_wait3A_514 = tpu.memref_slice %arg6[%dma_wait3A_511, %dma_wait3A_512, %dma_wait3A_513] : memref<2x384x128xf32, #tpu.memory_space<vmem>> -> memref<1x384x128xf32, #tpu.memory_space<vmem>>
    %dma_wait3A_515 = tpu.memref_squeeze %dma_wait3A_514 : memref<1x384x128xf32, #tpu.memory_space<vmem>> -> memref<384x128xf32, #tpu.memory_space<vmem>>
    %dma_wait3A_516 = tpu.memref_reshape %arg4 : memref<4096x24x128xf32, #tpu.memory_space<hbm>> -> memref<98304x128xf32, #tpu.memory_space<hbm>>
    %dma_wait3A_517 = arith.constant 0 : i32
    %dma_wait3A_518 = tpu.memref_slice %dma_wait3A_516[%add3A_387, %dma_wait3A_517] : memref<98304x128xf32, #tpu.memory_space<hbm>> -> memref<384x128xf32, #tpu.memory_space<hbm>>
    %dma_wait3A_519 = tpu.memref_reshape %arg4 : memref<4096x24x128xf32, #tpu.memory_space<hbm>> -> memref<98304x128xf32, #tpu.memory_space<hbm>>
    %dma_wait3A_520 = arith.constant 0 : i32
    %dma_wait3A_521 = tpu.memref_slice %dma_wait3A_519[%add3A_387, %dma_wait3A_520] : memref<98304x128xf32, #tpu.memory_space<hbm>> -> memref<384x128xf32, #tpu.memory_space<hbm>>
    %dma_wait3A_522 = arith.constant 0 : i32
    %dma_wait3A_523 = arith.constant 0 : i32
    %dma_wait3A_524 = tpu.memref_slice %arg6[%dma_wait3A_511, %dma_wait3A_522, %dma_wait3A_523] : memref<2x384x128xf32, #tpu.memory_space<vmem>> -> memref<1x384x128xf32, #tpu.memory_space<vmem>>
    %dma_wait3A_525 = tpu.memref_squeeze %dma_wait3A_524 : memref<1x384x128xf32, #tpu.memory_space<vmem>> -> memref<384x128xf32, #tpu.memory_space<vmem>>
    tpu.wait_dma2 semaphore(%arg10 : memref<!tpu.dma_semaphore, #tpu.memory_space<semaphore_mem>>) src(%dma_wait3A_525 : memref<384x128xf32, #tpu.memory_space<vmem>>) dst(%dma_wait3A_521 : memref<384x128xf32, #tpu.memory_space<hbm>>)
    %dma_start3A_526 = arith.constant 15 : i32
    %dma_start3A_527 = arith.constant 1 : i32
    %dma_start3A_528 = arith.constant 0 : i32
    %dma_start3A_529 = arith.constant 0 : i32
    %dma_start3A_530 = tpu.memref_slice %arg6[%dma_start3A_527, %dma_start3A_528, %dma_start3A_529] : memref<2x384x128xf32, #tpu.memory_space<vmem>> -> memref<1x128x128xf32, #tpu.memory_space<vmem>>
    %dma_start3A_531 = tpu.memref_squeeze %dma_start3A_530 : memref<1x128x128xf32, #tpu.memory_space<vmem>> -> memref<128x128xf32, #tpu.memory_space<vmem>>
    %dma_start3A_532 = arith.constant 0 : i32
    %dma_start3A_533 = tpu.memref_slice %arg5[%dma_start3A_526, %dma_start3A_532] : memref<24x128xi32, #tpu.memory_space<vmem>> -> memref<1x128xi32, #tpu.memory_space<vmem>>
    %dma_start3A_534 = tpu.memref_squeeze %dma_start3A_533 : memref<1x128xi32, #tpu.memory_space<vmem>> -> memref<128xi32, #tpu.memory_space<vmem>>
    %dma_start3A_535 = arith.constant 0 : i32
    %dma_start3A_536 = arith.constant 0 : i32
    %dma_start3A_537 = tpu.memref_slice %arg7[%dma_start3A_535, %dma_start3A_536] : memref<128x128xf32, #tpu.memory_space<vmem_shared>> -> memref<128x128xf32, #tpu.memory_space<vmem_shared>>
    tpu.enqueue_indirect_dma source(%dma_start3A_537 : memref<128x128xf32, #tpu.memory_space<vmem_shared>>) target(%dma_start3A_531 : memref<128x128xf32, #tpu.memory_space<vmem>>) offsets(%dma_start3A_534 : memref<128xi32, #tpu.memory_space<vmem>>) semaphore(%arg9 : memref<!tpu.dma_semaphore, #tpu.memory_space<semaphore_mem>>)
    %dma_start3A_538 = arith.constant 16 : i32
    %dma_start3A_539 = arith.constant 1 : i32
    %dma_start3A_540 = arith.constant 128 : i32
    %dma_start3A_541 = arith.constant 0 : i32
    %dma_start3A_542 = tpu.memref_slice %arg6[%dma_start3A_539, %dma_start3A_540, %dma_start3A_541] : memref<2x384x128xf32, #tpu.memory_space<vmem>> -> memref<1x128x128xf32, #tpu.memory_space<vmem>>
    %dma_start3A_543 = tpu.memref_squeeze %dma_start3A_542 : memref<1x128x128xf32, #tpu.memory_space<vmem>> -> memref<128x128xf32, #tpu.memory_space<vmem>>
    %dma_start3A_544 = arith.constant 0 : i32
    %dma_start3A_545 = tpu.memref_slice %arg5[%dma_start3A_538, %dma_start3A_544] : memref<24x128xi32, #tpu.memory_space<vmem>> -> memref<1x128xi32, #tpu.memory_space<vmem>>
    %dma_start3A_546 = tpu.memref_squeeze %dma_start3A_545 : memref<1x128xi32, #tpu.memory_space<vmem>> -> memref<128xi32, #tpu.memory_space<vmem>>
    %dma_start3A_547 = arith.constant 0 : i32
    %dma_start3A_548 = arith.constant 0 : i32
    %dma_start3A_549 = tpu.memref_slice %arg7[%dma_start3A_547, %dma_start3A_548] : memref<128x128xf32, #tpu.memory_space<vmem_shared>> -> memref<128x128xf32, #tpu.memory_space<vmem_shared>>
    tpu.enqueue_indirect_dma source(%dma_start3A_549 : memref<128x128xf32, #tpu.memory_space<vmem_shared>>) target(%dma_start3A_543 : memref<128x128xf32, #tpu.memory_space<vmem>>) offsets(%dma_start3A_546 : memref<128xi32, #tpu.memory_space<vmem>>) semaphore(%arg9 : memref<!tpu.dma_semaphore, #tpu.memory_space<semaphore_mem>>)
    %dma_start3A_550 = arith.constant 17 : i32
    %dma_start3A_551 = arith.constant 1 : i32
    %dma_start3A_552 = arith.constant 256 : i32
    %dma_start3A_553 = arith.constant 0 : i32
    %dma_start3A_554 = tpu.memref_slice %arg6[%dma_start3A_551, %dma_start3A_552, %dma_start3A_553] : memref<2x384x128xf32, #tpu.memory_space<vmem>> -> memref<1x128x128xf32, #tpu.memory_space<vmem>>
    %dma_start3A_555 = tpu.memref_squeeze %dma_start3A_554 : memref<1x128x128xf32, #tpu.memory_space<vmem>> -> memref<128x128xf32, #tpu.memory_space<vmem>>
    %dma_start3A_556 = arith.constant 0 : i32
    %dma_start3A_557 = tpu.memref_slice %arg5[%dma_start3A_550, %dma_start3A_556] : memref<24x128xi32, #tpu.memory_space<vmem>> -> memref<1x128xi32, #tpu.memory_space<vmem>>
    %dma_start3A_558 = tpu.memref_squeeze %dma_start3A_557 : memref<1x128xi32, #tpu.memory_space<vmem>> -> memref<128xi32, #tpu.memory_space<vmem>>
    %dma_start3A_559 = arith.constant 0 : i32
    %dma_start3A_560 = arith.constant 0 : i32
    %dma_start3A_561 = tpu.memref_slice %arg7[%dma_start3A_559, %dma_start3A_560] : memref<128x128xf32, #tpu.memory_space<vmem_shared>> -> memref<128x128xf32, #tpu.memory_space<vmem_shared>>
    tpu.enqueue_indirect_dma source(%dma_start3A_561 : memref<128x128xf32, #tpu.memory_space<vmem_shared>>) target(%dma_start3A_555 : memref<128x128xf32, #tpu.memory_space<vmem>>) offsets(%dma_start3A_558 : memref<128xi32, #tpu.memory_space<vmem>>) semaphore(%arg9 : memref<!tpu.dma_semaphore, #tpu.memory_space<semaphore_mem>>)
    %dma_wait3A_562 = arith.constant 15 : i32
    %dma_wait3A_563 = arith.constant 1 : i32
    %dma_wait3A_564 = arith.constant 0 : i32
    %dma_wait3A_565 = arith.constant 0 : i32
    %dma_wait3A_566 = tpu.memref_slice %arg6[%dma_wait3A_563, %dma_wait3A_564, %dma_wait3A_565] : memref<2x384x128xf32, #tpu.memory_space<vmem>> -> memref<1x128x128xf32, #tpu.memory_space<vmem>>
    %dma_wait3A_567 = tpu.memref_squeeze %dma_wait3A_566 : memref<1x128x128xf32, #tpu.memory_space<vmem>> -> memref<128x128xf32, #tpu.memory_space<vmem>>
    %dma_wait3A_568 = arith.constant 0 : i32
    %dma_wait3A_569 = tpu.memref_slice %arg5[%dma_wait3A_562, %dma_wait3A_568] : memref<24x128xi32, #tpu.memory_space<vmem>> -> memref<1x128xi32, #tpu.memory_space<vmem>>
    %dma_wait3A_570 = tpu.memref_squeeze %dma_wait3A_569 : memref<1x128xi32, #tpu.memory_space<vmem>> -> memref<128xi32, #tpu.memory_space<vmem>>
    %dma_wait3A_571 = arith.constant 0 : i32
    %dma_wait3A_572 = arith.constant 0 : i32
    %dma_wait3A_573 = tpu.memref_slice %arg7[%dma_wait3A_571, %dma_wait3A_572] : memref<128x128xf32, #tpu.memory_space<vmem_shared>> -> memref<128x128xf32, #tpu.memory_space<vmem_shared>>
    tpu.wait_indirect_dma semaphore(%arg9 : memref<!tpu.dma_semaphore, #tpu.memory_space<semaphore_mem>>) src(%dma_wait3A_573 : memref<128x128xf32, #tpu.memory_space<vmem_shared>>) dst(%dma_wait3A_567 : memref<128x128xf32, #tpu.memory_space<vmem>>)
    %dma_wait3A_574 = arith.constant 16 : i32
    %dma_wait3A_575 = arith.constant 1 : i32
    %dma_wait3A_576 = arith.constant 128 : i32
    %dma_wait3A_577 = arith.constant 0 : i32
    %dma_wait3A_578 = tpu.memref_slice %arg6[%dma_wait3A_575, %dma_wait3A_576, %dma_wait3A_577] : memref<2x384x128xf32, #tpu.memory_space<vmem>> -> memref<1x128x128xf32, #tpu.memory_space<vmem>>
    %dma_wait3A_579 = tpu.memref_squeeze %dma_wait3A_578 : memref<1x128x128xf32, #tpu.memory_space<vmem>> -> memref<128x128xf32, #tpu.memory_space<vmem>>
    %dma_wait3A_580 = arith.constant 0 : i32
    %dma_wait3A_581 = tpu.memref_slice %arg5[%dma_wait3A_574, %dma_wait3A_580] : memref<24x128xi32, #tpu.memory_space<vmem>> -> memref<1x128xi32, #tpu.memory_space<vmem>>
    %dma_wait3A_582 = tpu.memref_squeeze %dma_wait3A_581 : memref<1x128xi32, #tpu.memory_space<vmem>> -> memref<128xi32, #tpu.memory_space<vmem>>
    %dma_wait3A_583 = arith.constant 0 : i32
    %dma_wait3A_584 = arith.constant 0 : i32
    %dma_wait3A_585 = tpu.memref_slice %arg7[%dma_wait3A_583, %dma_wait3A_584] : memref<128x128xf32, #tpu.memory_space<vmem_shared>> -> memref<128x128xf32, #tpu.memory_space<vmem_shared>>
    tpu.wait_indirect_dma semaphore(%arg9 : memref<!tpu.dma_semaphore, #tpu.memory_space<semaphore_mem>>) src(%dma_wait3A_585 : memref<128x128xf32, #tpu.memory_space<vmem_shared>>) dst(%dma_wait3A_579 : memref<128x128xf32, #tpu.memory_space<vmem>>)
    %dma_wait3A_586 = arith.constant 17 : i32
    %dma_wait3A_587 = arith.constant 1 : i32
    %dma_wait3A_588 = arith.constant 256 : i32
    %dma_wait3A_589 = arith.constant 0 : i32
    %dma_wait3A_590 = tpu.memref_slice %arg6[%dma_wait3A_587, %dma_wait3A_588, %dma_wait3A_589] : memref<2x384x128xf32, #tpu.memory_space<vmem>> -> memref<1x128x128xf32, #tpu.memory_space<vmem>>
    %dma_wait3A_591 = tpu.memref_squeeze %dma_wait3A_590 : memref<1x128x128xf32, #tpu.memory_space<vmem>> -> memref<128x128xf32, #tpu.memory_space<vmem>>
    %dma_wait3A_592 = arith.constant 0 : i32
    %dma_wait3A_593 = tpu.memref_slice %arg5[%dma_wait3A_586, %dma_wait3A_592] : memref<24x128xi32, #tpu.memory_space<vmem>> -> memref<1x128xi32, #tpu.memory_space<vmem>>
    %dma_wait3A_594 = tpu.memref_squeeze %dma_wait3A_593 : memref<1x128xi32, #tpu.memory_space<vmem>> -> memref<128xi32, #tpu.memory_space<vmem>>
    %dma_wait3A_595 = arith.constant 0 : i32
    %dma_wait3A_596 = arith.constant 0 : i32
    %dma_wait3A_597 = tpu.memref_slice %arg7[%dma_wait3A_595, %dma_wait3A_596] : memref<128x128xf32, #tpu.memory_space<vmem_shared>> -> memref<128x128xf32, #tpu.memory_space<vmem_shared>>
    tpu.wait_indirect_dma semaphore(%arg9 : memref<!tpu.dma_semaphore, #tpu.memory_space<semaphore_mem>>) src(%dma_wait3A_597 : memref<128x128xf32, #tpu.memory_space<vmem_shared>>) dst(%dma_wait3A_591 : memref<128x128xf32, #tpu.memory_space<vmem>>)
    %mul3A_598 = arith.constant 24 : i32
    %mul3A_599 = arith.muli %add3A, %mul3A_598 : i32
    %mul3A_600 = arith.constant 128 : i32
    %mul3A_601 = arith.muli %mul3A_599, %mul3A_600 : i32
    %add3A_602 = arith.constant 1920 : i32
    %add3A_603 = arith.addi %mul3A_601, %add3A_602 : i32
    %dma_start3A_604 = arith.constant 1 : i32
    %dma_start3A_605 = arith.constant 0 : i32
    %dma_start3A_606 = arith.constant 0 : i32
    %dma_start3A_607 = tpu.memref_slice %arg6[%dma_start3A_604, %dma_start3A_605, %dma_start3A_606] : memref<2x384x128xf32, #tpu.memory_space<vmem>> -> memref<1x384x128xf32, #tpu.memory_space<vmem>>
    %dma_start3A_608 = tpu.memref_squeeze %dma_start3A_607 : memref<1x384x128xf32, #tpu.memory_space<vmem>> -> memref<384x128xf32, #tpu.memory_space<vmem>>
    %dma_start3A_609 = tpu.memref_reshape %arg4 : memref<4096x24x128xf32, #tpu.memory_space<hbm>> -> memref<98304x128xf32, #tpu.memory_space<hbm>>
    %dma_start3A_610 = arith.constant 0 : i32
    %dma_start3A_611 = tpu.memref_slice %dma_start3A_609[%add3A_603, %dma_start3A_610] : memref<98304x128xf32, #tpu.memory_space<hbm>> -> memref<384x128xf32, #tpu.memory_space<hbm>>
    %dma_start3A_612 = tpu.memref_reshape %arg4 : memref<4096x24x128xf32, #tpu.memory_space<hbm>> -> memref<98304x128xf32, #tpu.memory_space<hbm>>
    %dma_start3A_613 = arith.constant 0 : i32
    %dma_start3A_614 = tpu.memref_slice %dma_start3A_612[%add3A_603, %dma_start3A_613] : memref<98304x128xf32, #tpu.memory_space<hbm>> -> memref<384x128xf32, #tpu.memory_space<hbm>>
    %dma_start3A_615 = arith.constant 0 : i32
    %dma_start3A_616 = arith.constant 0 : i32
    %dma_start3A_617 = tpu.memref_slice %arg6[%dma_start3A_604, %dma_start3A_615, %dma_start3A_616] : memref<2x384x128xf32, #tpu.memory_space<vmem>> -> memref<1x384x128xf32, #tpu.memory_space<vmem>>
    %dma_start3A_618 = tpu.memref_squeeze %dma_start3A_617 : memref<1x384x128xf32, #tpu.memory_space<vmem>> -> memref<384x128xf32, #tpu.memory_space<vmem>>
    tpu.enqueue_dma source(%dma_start3A_618 : memref<384x128xf32, #tpu.memory_space<vmem>>) target(%dma_start3A_614 : memref<384x128xf32, #tpu.memory_space<hbm>>) target_semaphore(%arg10 : memref<!tpu.dma_semaphore, #tpu.memory_space<semaphore_mem>>)
    %dma_wait3A_619 = arith.constant 0 : i32
    %dma_wait3A_620 = arith.constant 0 : i32
    %dma_wait3A_621 = arith.constant 0 : i32
    %dma_wait3A_622 = tpu.memref_slice %arg6[%dma_wait3A_619, %dma_wait3A_620, %dma_wait3A_621] : memref<2x384x128xf32, #tpu.memory_space<vmem>> -> memref<1x384x128xf32, #tpu.memory_space<vmem>>
    %dma_wait3A_623 = tpu.memref_squeeze %dma_wait3A_622 : memref<1x384x128xf32, #tpu.memory_space<vmem>> -> memref<384x128xf32, #tpu.memory_space<vmem>>
    %dma_wait3A_624 = tpu.memref_reshape %arg4 : memref<4096x24x128xf32, #tpu.memory_space<hbm>> -> memref<98304x128xf32, #tpu.memory_space<hbm>>
    %dma_wait3A_625 = arith.constant 0 : i32
    %dma_wait3A_626 = tpu.memref_slice %dma_wait3A_624[%add3A_495, %dma_wait3A_625] : memref<98304x128xf32, #tpu.memory_space<hbm>> -> memref<384x128xf32, #tpu.memory_space<hbm>>
    %dma_wait3A_627 = tpu.memref_reshape %arg4 : memref<4096x24x128xf32, #tpu.memory_space<hbm>> -> memref<98304x128xf32, #tpu.memory_space<hbm>>
    %dma_wait3A_628 = arith.constant 0 : i32
    %dma_wait3A_629 = tpu.memref_slice %dma_wait3A_627[%add3A_495, %dma_wait3A_628] : memref<98304x128xf32, #tpu.memory_space<hbm>> -> memref<384x128xf32, #tpu.memory_space<hbm>>
    %dma_wait3A_630 = arith.constant 0 : i32
    %dma_wait3A_631 = arith.constant 0 : i32
    %dma_wait3A_632 = tpu.memref_slice %arg6[%dma_wait3A_619, %dma_wait3A_630, %dma_wait3A_631] : memref<2x384x128xf32, #tpu.memory_space<vmem>> -> memref<1x384x128xf32, #tpu.memory_space<vmem>>
    %dma_wait3A_633 = tpu.memref_squeeze %dma_wait3A_632 : memref<1x384x128xf32, #tpu.memory_space<vmem>> -> memref<384x128xf32, #tpu.memory_space<vmem>>
    tpu.wait_dma2 semaphore(%arg10 : memref<!tpu.dma_semaphore, #tpu.memory_space<semaphore_mem>>) src(%dma_wait3A_633 : memref<384x128xf32, #tpu.memory_space<vmem>>) dst(%dma_wait3A_629 : memref<384x128xf32, #tpu.memory_space<hbm>>)
    %dma_start3A_634 = arith.constant 18 : i32
    %dma_start3A_635 = arith.constant 0 : i32
    %dma_start3A_636 = arith.constant 0 : i32
    %dma_start3A_637 = arith.constant 0 : i32
    %dma_start3A_638 = tpu.memref_slice %arg6[%dma_start3A_635, %dma_start3A_636, %dma_start3A_637] : memref<2x384x128xf32, #tpu.memory_space<vmem>> -> memref<1x128x128xf32, #tpu.memory_space<vmem>>
    %dma_start3A_639 = tpu.memref_squeeze %dma_start3A_638 : memref<1x128x128xf32, #tpu.memory_space<vmem>> -> memref<128x128xf32, #tpu.memory_space<vmem>>
    %dma_start3A_640 = arith.constant 0 : i32
    %dma_start3A_641 = tpu.memref_slice %arg5[%dma_start3A_634, %dma_start3A_640] : memref<24x128xi32, #tpu.memory_space<vmem>> -> memref<1x128xi32, #tpu.memory_space<vmem>>
    %dma_start3A_642 = tpu.memref_squeeze %dma_start3A_641 : memref<1x128xi32, #tpu.memory_space<vmem>> -> memref<128xi32, #tpu.memory_space<vmem>>
    %dma_start3A_643 = arith.constant 0 : i32
    %dma_start3A_644 = arith.constant 0 : i32
    %dma_start3A_645 = tpu.memref_slice %arg7[%dma_start3A_643, %dma_start3A_644] : memref<128x128xf32, #tpu.memory_space<vmem_shared>> -> memref<128x128xf32, #tpu.memory_space<vmem_shared>>
    tpu.enqueue_indirect_dma source(%dma_start3A_645 : memref<128x128xf32, #tpu.memory_space<vmem_shared>>) target(%dma_start3A_639 : memref<128x128xf32, #tpu.memory_space<vmem>>) offsets(%dma_start3A_642 : memref<128xi32, #tpu.memory_space<vmem>>) semaphore(%arg8 : memref<!tpu.dma_semaphore, #tpu.memory_space<semaphore_mem>>)
    %dma_start3A_646 = arith.constant 19 : i32
    %dma_start3A_647 = arith.constant 0 : i32
    %dma_start3A_648 = arith.constant 128 : i32
    %dma_start3A_649 = arith.constant 0 : i32
    %dma_start3A_650 = tpu.memref_slice %arg6[%dma_start3A_647, %dma_start3A_648, %dma_start3A_649] : memref<2x384x128xf32, #tpu.memory_space<vmem>> -> memref<1x128x128xf32, #tpu.memory_space<vmem>>
    %dma_start3A_651 = tpu.memref_squeeze %dma_start3A_650 : memref<1x128x128xf32, #tpu.memory_space<vmem>> -> memref<128x128xf32, #tpu.memory_space<vmem>>
    %dma_start3A_652 = arith.constant 0 : i32
    %dma_start3A_653 = tpu.memref_slice %arg5[%dma_start3A_646, %dma_start3A_652] : memref<24x128xi32, #tpu.memory_space<vmem>> -> memref<1x128xi32, #tpu.memory_space<vmem>>
    %dma_start3A_654 = tpu.memref_squeeze %dma_start3A_653 : memref<1x128xi32, #tpu.memory_space<vmem>> -> memref<128xi32, #tpu.memory_space<vmem>>
    %dma_start3A_655 = arith.constant 0 : i32
    %dma_start3A_656 = arith.constant 0 : i32
    %dma_start3A_657 = tpu.memref_slice %arg7[%dma_start3A_655, %dma_start3A_656] : memref<128x128xf32, #tpu.memory_space<vmem_shared>> -> memref<128x128xf32, #tpu.memory_space<vmem_shared>>
    tpu.enqueue_indirect_dma source(%dma_start3A_657 : memref<128x128xf32, #tpu.memory_space<vmem_shared>>) target(%dma_start3A_651 : memref<128x128xf32, #tpu.memory_space<vmem>>) offsets(%dma_start3A_654 : memref<128xi32, #tpu.memory_space<vmem>>) semaphore(%arg8 : memref<!tpu.dma_semaphore, #tpu.memory_space<semaphore_mem>>)
    %dma_start3A_658 = arith.constant 20 : i32
    %dma_start3A_659 = arith.constant 0 : i32
    %dma_start3A_660 = arith.constant 256 : i32
    %dma_start3A_661 = arith.constant 0 : i32
    %dma_start3A_662 = tpu.memref_slice %arg6[%dma_start3A_659, %dma_start3A_660, %dma_start3A_661] : memref<2x384x128xf32, #tpu.memory_space<vmem>> -> memref<1x128x128xf32, #tpu.memory_space<vmem>>
    %dma_start3A_663 = tpu.memref_squeeze %dma_start3A_662 : memref<1x128x128xf32, #tpu.memory_space<vmem>> -> memref<128x128xf32, #tpu.memory_space<vmem>>
    %dma_start3A_664 = arith.constant 0 : i32
    %dma_start3A_665 = tpu.memref_slice %arg5[%dma_start3A_658, %dma_start3A_664] : memref<24x128xi32, #tpu.memory_space<vmem>> -> memref<1x128xi32, #tpu.memory_space<vmem>>
    %dma_start3A_666 = tpu.memref_squeeze %dma_start3A_665 : memref<1x128xi32, #tpu.memory_space<vmem>> -> memref<128xi32, #tpu.memory_space<vmem>>
    %dma_start3A_667 = arith.constant 0 : i32
    %dma_start3A_668 = arith.constant 0 : i32
    %dma_start3A_669 = tpu.memref_slice %arg7[%dma_start3A_667, %dma_start3A_668] : memref<128x128xf32, #tpu.memory_space<vmem_shared>> -> memref<128x128xf32, #tpu.memory_space<vmem_shared>>
    tpu.enqueue_indirect_dma source(%dma_start3A_669 : memref<128x128xf32, #tpu.memory_space<vmem_shared>>) target(%dma_start3A_663 : memref<128x128xf32, #tpu.memory_space<vmem>>) offsets(%dma_start3A_666 : memref<128xi32, #tpu.memory_space<vmem>>) semaphore(%arg8 : memref<!tpu.dma_semaphore, #tpu.memory_space<semaphore_mem>>)
    %dma_wait3A_670 = arith.constant 18 : i32
    %dma_wait3A_671 = arith.constant 0 : i32
    %dma_wait3A_672 = arith.constant 0 : i32
    %dma_wait3A_673 = arith.constant 0 : i32
    %dma_wait3A_674 = tpu.memref_slice %arg6[%dma_wait3A_671, %dma_wait3A_672, %dma_wait3A_673] : memref<2x384x128xf32, #tpu.memory_space<vmem>> -> memref<1x128x128xf32, #tpu.memory_space<vmem>>
    %dma_wait3A_675 = tpu.memref_squeeze %dma_wait3A_674 : memref<1x128x128xf32, #tpu.memory_space<vmem>> -> memref<128x128xf32, #tpu.memory_space<vmem>>
    %dma_wait3A_676 = arith.constant 0 : i32
    %dma_wait3A_677 = tpu.memref_slice %arg5[%dma_wait3A_670, %dma_wait3A_676] : memref<24x128xi32, #tpu.memory_space<vmem>> -> memref<1x128xi32, #tpu.memory_space<vmem>>
    %dma_wait3A_678 = tpu.memref_squeeze %dma_wait3A_677 : memref<1x128xi32, #tpu.memory_space<vmem>> -> memref<128xi32, #tpu.memory_space<vmem>>
    %dma_wait3A_679 = arith.constant 0 : i32
    %dma_wait3A_680 = arith.constant 0 : i32
    %dma_wait3A_681 = tpu.memref_slice %arg7[%dma_wait3A_679, %dma_wait3A_680] : memref<128x128xf32, #tpu.memory_space<vmem_shared>> -> memref<128x128xf32, #tpu.memory_space<vmem_shared>>
    tpu.wait_indirect_dma semaphore(%arg8 : memref<!tpu.dma_semaphore, #tpu.memory_space<semaphore_mem>>) src(%dma_wait3A_681 : memref<128x128xf32, #tpu.memory_space<vmem_shared>>) dst(%dma_wait3A_675 : memref<128x128xf32, #tpu.memory_space<vmem>>)
    %dma_wait3A_682 = arith.constant 19 : i32
    %dma_wait3A_683 = arith.constant 0 : i32
    %dma_wait3A_684 = arith.constant 128 : i32
    %dma_wait3A_685 = arith.constant 0 : i32
    %dma_wait3A_686 = tpu.memref_slice %arg6[%dma_wait3A_683, %dma_wait3A_684, %dma_wait3A_685] : memref<2x384x128xf32, #tpu.memory_space<vmem>> -> memref<1x128x128xf32, #tpu.memory_space<vmem>>
    %dma_wait3A_687 = tpu.memref_squeeze %dma_wait3A_686 : memref<1x128x128xf32, #tpu.memory_space<vmem>> -> memref<128x128xf32, #tpu.memory_space<vmem>>
    %dma_wait3A_688 = arith.constant 0 : i32
    %dma_wait3A_689 = tpu.memref_slice %arg5[%dma_wait3A_682, %dma_wait3A_688] : memref<24x128xi32, #tpu.memory_space<vmem>> -> memref<1x128xi32, #tpu.memory_space<vmem>>
    %dma_wait3A_690 = tpu.memref_squeeze %dma_wait3A_689 : memref<1x128xi32, #tpu.memory_space<vmem>> -> memref<128xi32, #tpu.memory_space<vmem>>
    %dma_wait3A_691 = arith.constant 0 : i32
    %dma_wait3A_692 = arith.constant 0 : i32
    %dma_wait3A_693 = tpu.memref_slice %arg7[%dma_wait3A_691, %dma_wait3A_692] : memref<128x128xf32, #tpu.memory_space<vmem_shared>> -> memref<128x128xf32, #tpu.memory_space<vmem_shared>>
    tpu.wait_indirect_dma semaphore(%arg8 : memref<!tpu.dma_semaphore, #tpu.memory_space<semaphore_mem>>) src(%dma_wait3A_693 : memref<128x128xf32, #tpu.memory_space<vmem_shared>>) dst(%dma_wait3A_687 : memref<128x128xf32, #tpu.memory_space<vmem>>)
    %dma_wait3A_694 = arith.constant 20 : i32
    %dma_wait3A_695 = arith.constant 0 : i32
    %dma_wait3A_696 = arith.constant 256 : i32
    %dma_wait3A_697 = arith.constant 0 : i32
    %dma_wait3A_698 = tpu.memref_slice %arg6[%dma_wait3A_695, %dma_wait3A_696, %dma_wait3A_697] : memref<2x384x128xf32, #tpu.memory_space<vmem>> -> memref<1x128x128xf32, #tpu.memory_space<vmem>>
    %dma_wait3A_699 = tpu.memref_squeeze %dma_wait3A_698 : memref<1x128x128xf32, #tpu.memory_space<vmem>> -> memref<128x128xf32, #tpu.memory_space<vmem>>
    %dma_wait3A_700 = arith.constant 0 : i32
    %dma_wait3A_701 = tpu.memref_slice %arg5[%dma_wait3A_694, %dma_wait3A_700] : memref<24x128xi32, #tpu.memory_space<vmem>> -> memref<1x128xi32, #tpu.memory_space<vmem>>
    %dma_wait3A_702 = tpu.memref_squeeze %dma_wait3A_701 : memref<1x128xi32, #tpu.memory_space<vmem>> -> memref<128xi32, #tpu.memory_space<vmem>>
    %dma_wait3A_703 = arith.constant 0 : i32
    %dma_wait3A_704 = arith.constant 0 : i32
    %dma_wait3A_705 = tpu.memref_slice %arg7[%dma_wait3A_703, %dma_wait3A_704] : memref<128x128xf32, #tpu.memory_space<vmem_shared>> -> memref<128x128xf32, #tpu.memory_space<vmem_shared>>
    tpu.wait_indirect_dma semaphore(%arg8 : memref<!tpu.dma_semaphore, #tpu.memory_space<semaphore_mem>>) src(%dma_wait3A_705 : memref<128x128xf32, #tpu.memory_space<vmem_shared>>) dst(%dma_wait3A_699 : memref<128x128xf32, #tpu.memory_space<vmem>>)
    %mul3A_706 = arith.constant 24 : i32
    %mul3A_707 = arith.muli %add3A, %mul3A_706 : i32
    %mul3A_708 = arith.constant 128 : i32
    %mul3A_709 = arith.muli %mul3A_707, %mul3A_708 : i32
    %add3A_710 = arith.constant 2304 : i32
    %add3A_711 = arith.addi %mul3A_709, %add3A_710 : i32
    %dma_start3A_712 = arith.constant 0 : i32
    %dma_start3A_713 = arith.constant 0 : i32
    %dma_start3A_714 = arith.constant 0 : i32
    %dma_start3A_715 = tpu.memref_slice %arg6[%dma_start3A_712, %dma_start3A_713, %dma_start3A_714] : memref<2x384x128xf32, #tpu.memory_space<vmem>> -> memref<1x384x128xf32, #tpu.memory_space<vmem>>
    %dma_start3A_716 = tpu.memref_squeeze %dma_start3A_715 : memref<1x384x128xf32, #tpu.memory_space<vmem>> -> memref<384x128xf32, #tpu.memory_space<vmem>>
    %dma_start3A_717 = tpu.memref_reshape %arg4 : memref<4096x24x128xf32, #tpu.memory_space<hbm>> -> memref<98304x128xf32, #tpu.memory_space<hbm>>
    %dma_start3A_718 = arith.constant 0 : i32
    %dma_start3A_719 = tpu.memref_slice %dma_start3A_717[%add3A_711, %dma_start3A_718] : memref<98304x128xf32, #tpu.memory_space<hbm>> -> memref<384x128xf32, #tpu.memory_space<hbm>>
    %dma_start3A_720 = tpu.memref_reshape %arg4 : memref<4096x24x128xf32, #tpu.memory_space<hbm>> -> memref<98304x128xf32, #tpu.memory_space<hbm>>
    %dma_start3A_721 = arith.constant 0 : i32
    %dma_start3A_722 = tpu.memref_slice %dma_start3A_720[%add3A_711, %dma_start3A_721] : memref<98304x128xf32, #tpu.memory_space<hbm>> -> memref<384x128xf32, #tpu.memory_space<hbm>>
    %dma_start3A_723 = arith.constant 0 : i32
    %dma_start3A_724 = arith.constant 0 : i32
    %dma_start3A_725 = tpu.memref_slice %arg6[%dma_start3A_712, %dma_start3A_723, %dma_start3A_724] : memref<2x384x128xf32, #tpu.memory_space<vmem>> -> memref<1x384x128xf32, #tpu.memory_space<vmem>>
    %dma_start3A_726 = tpu.memref_squeeze %dma_start3A_725 : memref<1x384x128xf32, #tpu.memory_space<vmem>> -> memref<384x128xf32, #tpu.memory_space<vmem>>
    tpu.enqueue_dma source(%dma_start3A_726 : memref<384x128xf32, #tpu.memory_space<vmem>>) target(%dma_start3A_722 : memref<384x128xf32, #tpu.memory_space<hbm>>) target_semaphore(%arg10 : memref<!tpu.dma_semaphore, #tpu.memory_space<semaphore_mem>>)
    %dma_wait3A_727 = arith.constant 1 : i32
    %dma_wait3A_728 = arith.constant 0 : i32
    %dma_wait3A_729 = arith.constant 0 : i32
    %dma_wait3A_730 = tpu.memref_slice %arg6[%dma_wait3A_727, %dma_wait3A_728, %dma_wait3A_729] : memref<2x384x128xf32, #tpu.memory_space<vmem>> -> memref<1x384x128xf32, #tpu.memory_space<vmem>>
    %dma_wait3A_731 = tpu.memref_squeeze %dma_wait3A_730 : memref<1x384x128xf32, #tpu.memory_space<vmem>> -> memref<384x128xf32, #tpu.memory_space<vmem>>
    %dma_wait3A_732 = tpu.memref_reshape %arg4 : memref<4096x24x128xf32, #tpu.memory_space<hbm>> -> memref<98304x128xf32, #tpu.memory_space<hbm>>
    %dma_wait3A_733 = arith.constant 0 : i32
    %dma_wait3A_734 = tpu.memref_slice %dma_wait3A_732[%add3A_603, %dma_wait3A_733] : memref<98304x128xf32, #tpu.memory_space<hbm>> -> memref<384x128xf32, #tpu.memory_space<hbm>>
    %dma_wait3A_735 = tpu.memref_reshape %arg4 : memref<4096x24x128xf32, #tpu.memory_space<hbm>> -> memref<98304x128xf32, #tpu.memory_space<hbm>>
    %dma_wait3A_736 = arith.constant 0 : i32
    %dma_wait3A_737 = tpu.memref_slice %dma_wait3A_735[%add3A_603, %dma_wait3A_736] : memref<98304x128xf32, #tpu.memory_space<hbm>> -> memref<384x128xf32, #tpu.memory_space<hbm>>
    %dma_wait3A_738 = arith.constant 0 : i32
    %dma_wait3A_739 = arith.constant 0 : i32
    %dma_wait3A_740 = tpu.memref_slice %arg6[%dma_wait3A_727, %dma_wait3A_738, %dma_wait3A_739] : memref<2x384x128xf32, #tpu.memory_space<vmem>> -> memref<1x384x128xf32, #tpu.memory_space<vmem>>
    %dma_wait3A_741 = tpu.memref_squeeze %dma_wait3A_740 : memref<1x384x128xf32, #tpu.memory_space<vmem>> -> memref<384x128xf32, #tpu.memory_space<vmem>>
    tpu.wait_dma2 semaphore(%arg10 : memref<!tpu.dma_semaphore, #tpu.memory_space<semaphore_mem>>) src(%dma_wait3A_741 : memref<384x128xf32, #tpu.memory_space<vmem>>) dst(%dma_wait3A_737 : memref<384x128xf32, #tpu.memory_space<hbm>>)
    %dma_start3A_742 = arith.constant 21 : i32
    %dma_start3A_743 = arith.constant 1 : i32
    %dma_start3A_744 = arith.constant 0 : i32
    %dma_start3A_745 = arith.constant 0 : i32
    %dma_start3A_746 = tpu.memref_slice %arg6[%dma_start3A_743, %dma_start3A_744, %dma_start3A_745] : memref<2x384x128xf32, #tpu.memory_space<vmem>> -> memref<1x128x128xf32, #tpu.memory_space<vmem>>
    %dma_start3A_747 = tpu.memref_squeeze %dma_start3A_746 : memref<1x128x128xf32, #tpu.memory_space<vmem>> -> memref<128x128xf32, #tpu.memory_space<vmem>>
    %dma_start3A_748 = arith.constant 0 : i32
    %dma_start3A_749 = tpu.memref_slice %arg5[%dma_start3A_742, %dma_start3A_748] : memref<24x128xi32, #tpu.memory_space<vmem>> -> memref<1x128xi32, #tpu.memory_space<vmem>>
    %dma_start3A_750 = tpu.memref_squeeze %dma_start3A_749 : memref<1x128xi32, #tpu.memory_space<vmem>> -> memref<128xi32, #tpu.memory_space<vmem>>
    %dma_start3A_751 = arith.constant 0 : i32
    %dma_start3A_752 = arith.constant 0 : i32
    %dma_start3A_753 = tpu.memref_slice %arg7[%dma_start3A_751, %dma_start3A_752] : memref<128x128xf32, #tpu.memory_space<vmem_shared>> -> memref<128x128xf32, #tpu.memory_space<vmem_shared>>
    tpu.enqueue_indirect_dma source(%dma_start3A_753 : memref<128x128xf32, #tpu.memory_space<vmem_shared>>) target(%dma_start3A_747 : memref<128x128xf32, #tpu.memory_space<vmem>>) offsets(%dma_start3A_750 : memref<128xi32, #tpu.memory_space<vmem>>) semaphore(%arg9 : memref<!tpu.dma_semaphore, #tpu.memory_space<semaphore_mem>>)
    %dma_start3A_754 = arith.constant 22 : i32
    %dma_start3A_755 = arith.constant 1 : i32
    %dma_start3A_756 = arith.constant 128 : i32
    %dma_start3A_757 = arith.constant 0 : i32
    %dma_start3A_758 = tpu.memref_slice %arg6[%dma_start3A_755, %dma_start3A_756, %dma_start3A_757] : memref<2x384x128xf32, #tpu.memory_space<vmem>> -> memref<1x128x128xf32, #tpu.memory_space<vmem>>
    %dma_start3A_759 = tpu.memref_squeeze %dma_start3A_758 : memref<1x128x128xf32, #tpu.memory_space<vmem>> -> memref<128x128xf32, #tpu.memory_space<vmem>>
    %dma_start3A_760 = arith.constant 0 : i32
    %dma_start3A_761 = tpu.memref_slice %arg5[%dma_start3A_754, %dma_start3A_760] : memref<24x128xi32, #tpu.memory_space<vmem>> -> memref<1x128xi32, #tpu.memory_space<vmem>>
    %dma_start3A_762 = tpu.memref_squeeze %dma_start3A_761 : memref<1x128xi32, #tpu.memory_space<vmem>> -> memref<128xi32, #tpu.memory_space<vmem>>
    %dma_start3A_763 = arith.constant 0 : i32
    %dma_start3A_764 = arith.constant 0 : i32
    %dma_start3A_765 = tpu.memref_slice %arg7[%dma_start3A_763, %dma_start3A_764] : memref<128x128xf32, #tpu.memory_space<vmem_shared>> -> memref<128x128xf32, #tpu.memory_space<vmem_shared>>
    tpu.enqueue_indirect_dma source(%dma_start3A_765 : memref<128x128xf32, #tpu.memory_space<vmem_shared>>) target(%dma_start3A_759 : memref<128x128xf32, #tpu.memory_space<vmem>>) offsets(%dma_start3A_762 : memref<128xi32, #tpu.memory_space<vmem>>) semaphore(%arg9 : memref<!tpu.dma_semaphore, #tpu.memory_space<semaphore_mem>>)
    %dma_start3A_766 = arith.constant 23 : i32
    %dma_start3A_767 = arith.constant 1 : i32
    %dma_start3A_768 = arith.constant 256 : i32
    %dma_start3A_769 = arith.constant 0 : i32
    %dma_start3A_770 = tpu.memref_slice %arg6[%dma_start3A_767, %dma_start3A_768, %dma_start3A_769] : memref<2x384x128xf32, #tpu.memory_space<vmem>> -> memref<1x128x128xf32, #tpu.memory_space<vmem>>
    %dma_start3A_771 = tpu.memref_squeeze %dma_start3A_770 : memref<1x128x128xf32, #tpu.memory_space<vmem>> -> memref<128x128xf32, #tpu.memory_space<vmem>>
    %dma_start3A_772 = arith.constant 0 : i32
    %dma_start3A_773 = tpu.memref_slice %arg5[%dma_start3A_766, %dma_start3A_772] : memref<24x128xi32, #tpu.memory_space<vmem>> -> memref<1x128xi32, #tpu.memory_space<vmem>>
    %dma_start3A_774 = tpu.memref_squeeze %dma_start3A_773 : memref<1x128xi32, #tpu.memory_space<vmem>> -> memref<128xi32, #tpu.memory_space<vmem>>
    %dma_start3A_775 = arith.constant 0 : i32
    %dma_start3A_776 = arith.constant 0 : i32
    %dma_start3A_777 = tpu.memref_slice %arg7[%dma_start3A_775, %dma_start3A_776] : memref<128x128xf32, #tpu.memory_space<vmem_shared>> -> memref<128x128xf32, #tpu.memory_space<vmem_shared>>
    tpu.enqueue_indirect_dma source(%dma_start3A_777 : memref<128x128xf32, #tpu.memory_space<vmem_shared>>) target(%dma_start3A_771 : memref<128x128xf32, #tpu.memory_space<vmem>>) offsets(%dma_start3A_774 : memref<128xi32, #tpu.memory_space<vmem>>) semaphore(%arg9 : memref<!tpu.dma_semaphore, #tpu.memory_space<semaphore_mem>>)
    %dma_wait3A_778 = arith.constant 21 : i32
    %dma_wait3A_779 = arith.constant 1 : i32
    %dma_wait3A_780 = arith.constant 0 : i32
    %dma_wait3A_781 = arith.constant 0 : i32
    %dma_wait3A_782 = tpu.memref_slice %arg6[%dma_wait3A_779, %dma_wait3A_780, %dma_wait3A_781] : memref<2x384x128xf32, #tpu.memory_space<vmem>> -> memref<1x128x128xf32, #tpu.memory_space<vmem>>
    %dma_wait3A_783 = tpu.memref_squeeze %dma_wait3A_782 : memref<1x128x128xf32, #tpu.memory_space<vmem>> -> memref<128x128xf32, #tpu.memory_space<vmem>>
    %dma_wait3A_784 = arith.constant 0 : i32
    %dma_wait3A_785 = tpu.memref_slice %arg5[%dma_wait3A_778, %dma_wait3A_784] : memref<24x128xi32, #tpu.memory_space<vmem>> -> memref<1x128xi32, #tpu.memory_space<vmem>>
    %dma_wait3A_786 = tpu.memref_squeeze %dma_wait3A_785 : memref<1x128xi32, #tpu.memory_space<vmem>> -> memref<128xi32, #tpu.memory_space<vmem>>
    %dma_wait3A_787 = arith.constant 0 : i32
    %dma_wait3A_788 = arith.constant 0 : i32
    %dma_wait3A_789 = tpu.memref_slice %arg7[%dma_wait3A_787, %dma_wait3A_788] : memref<128x128xf32, #tpu.memory_space<vmem_shared>> -> memref<128x128xf32, #tpu.memory_space<vmem_shared>>
    tpu.wait_indirect_dma semaphore(%arg9 : memref<!tpu.dma_semaphore, #tpu.memory_space<semaphore_mem>>) src(%dma_wait3A_789 : memref<128x128xf32, #tpu.memory_space<vmem_shared>>) dst(%dma_wait3A_783 : memref<128x128xf32, #tpu.memory_space<vmem>>)
    %dma_wait3A_790 = arith.constant 22 : i32
    %dma_wait3A_791 = arith.constant 1 : i32
    %dma_wait3A_792 = arith.constant 128 : i32
    %dma_wait3A_793 = arith.constant 0 : i32
    %dma_wait3A_794 = tpu.memref_slice %arg6[%dma_wait3A_791, %dma_wait3A_792, %dma_wait3A_793] : memref<2x384x128xf32, #tpu.memory_space<vmem>> -> memref<1x128x128xf32, #tpu.memory_space<vmem>>
    %dma_wait3A_795 = tpu.memref_squeeze %dma_wait3A_794 : memref<1x128x128xf32, #tpu.memory_space<vmem>> -> memref<128x128xf32, #tpu.memory_space<vmem>>
    %dma_wait3A_796 = arith.constant 0 : i32
    %dma_wait3A_797 = tpu.memref_slice %arg5[%dma_wait3A_790, %dma_wait3A_796] : memref<24x128xi32, #tpu.memory_space<vmem>> -> memref<1x128xi32, #tpu.memory_space<vmem>>
    %dma_wait3A_798 = tpu.memref_squeeze %dma_wait3A_797 : memref<1x128xi32, #tpu.memory_space<vmem>> -> memref<128xi32, #tpu.memory_space<vmem>>
    %dma_wait3A_799 = arith.constant 0 : i32
    %dma_wait3A_800 = arith.constant 0 : i32
    %dma_wait3A_801 = tpu.memref_slice %arg7[%dma_wait3A_799, %dma_wait3A_800] : memref<128x128xf32, #tpu.memory_space<vmem_shared>> -> memref<128x128xf32, #tpu.memory_space<vmem_shared>>
    tpu.wait_indirect_dma semaphore(%arg9 : memref<!tpu.dma_semaphore, #tpu.memory_space<semaphore_mem>>) src(%dma_wait3A_801 : memref<128x128xf32, #tpu.memory_space<vmem_shared>>) dst(%dma_wait3A_795 : memref<128x128xf32, #tpu.memory_space<vmem>>)
    %dma_wait3A_802 = arith.constant 23 : i32
    %dma_wait3A_803 = arith.constant 1 : i32
    %dma_wait3A_804 = arith.constant 256 : i32
    %dma_wait3A_805 = arith.constant 0 : i32
    %dma_wait3A_806 = tpu.memref_slice %arg6[%dma_wait3A_803, %dma_wait3A_804, %dma_wait3A_805] : memref<2x384x128xf32, #tpu.memory_space<vmem>> -> memref<1x128x128xf32, #tpu.memory_space<vmem>>
    %dma_wait3A_807 = tpu.memref_squeeze %dma_wait3A_806 : memref<1x128x128xf32, #tpu.memory_space<vmem>> -> memref<128x128xf32, #tpu.memory_space<vmem>>
    %dma_wait3A_808 = arith.constant 0 : i32
    %dma_wait3A_809 = tpu.memref_slice %arg5[%dma_wait3A_802, %dma_wait3A_808] : memref<24x128xi32, #tpu.memory_space<vmem>> -> memref<1x128xi32, #tpu.memory_space<vmem>>
    %dma_wait3A_810 = tpu.memref_squeeze %dma_wait3A_809 : memref<1x128xi32, #tpu.memory_space<vmem>> -> memref<128xi32, #tpu.memory_space<vmem>>
    %dma_wait3A_811 = arith.constant 0 : i32
    %dma_wait3A_812 = arith.constant 0 : i32
    %dma_wait3A_813 = tpu.memref_slice %arg7[%dma_wait3A_811, %dma_wait3A_812] : memref<128x128xf32, #tpu.memory_space<vmem_shared>> -> memref<128x128xf32, #tpu.memory_space<vmem_shared>>
    tpu.wait_indirect_dma semaphore(%arg9 : memref<!tpu.dma_semaphore, #tpu.memory_space<semaphore_mem>>) src(%dma_wait3A_813 : memref<128x128xf32, #tpu.memory_space<vmem_shared>>) dst(%dma_wait3A_807 : memref<128x128xf32, #tpu.memory_space<vmem>>)
    %mul3A_814 = arith.constant 24 : i32
    %mul3A_815 = arith.muli %add3A, %mul3A_814 : i32
    %mul3A_816 = arith.constant 128 : i32
    %mul3A_817 = arith.muli %mul3A_815, %mul3A_816 : i32
    %add3A_818 = arith.constant 2688 : i32
    %add3A_819 = arith.addi %mul3A_817, %add3A_818 : i32
    %dma_start3A_820 = arith.constant 1 : i32
    %dma_start3A_821 = arith.constant 0 : i32
    %dma_start3A_822 = arith.constant 0 : i32
    %dma_start3A_823 = tpu.memref_slice %arg6[%dma_start3A_820, %dma_start3A_821, %dma_start3A_822] : memref<2x384x128xf32, #tpu.memory_space<vmem>> -> memref<1x384x128xf32, #tpu.memory_space<vmem>>
    %dma_start3A_824 = tpu.memref_squeeze %dma_start3A_823 : memref<1x384x128xf32, #tpu.memory_space<vmem>> -> memref<384x128xf32, #tpu.memory_space<vmem>>
    %dma_start3A_825 = tpu.memref_reshape %arg4 : memref<4096x24x128xf32, #tpu.memory_space<hbm>> -> memref<98304x128xf32, #tpu.memory_space<hbm>>
    %dma_start3A_826 = arith.constant 0 : i32
    %dma_start3A_827 = tpu.memref_slice %dma_start3A_825[%add3A_819, %dma_start3A_826] : memref<98304x128xf32, #tpu.memory_space<hbm>> -> memref<384x128xf32, #tpu.memory_space<hbm>>
    %dma_start3A_828 = tpu.memref_reshape %arg4 : memref<4096x24x128xf32, #tpu.memory_space<hbm>> -> memref<98304x128xf32, #tpu.memory_space<hbm>>
    %dma_start3A_829 = arith.constant 0 : i32
    %dma_start3A_830 = tpu.memref_slice %dma_start3A_828[%add3A_819, %dma_start3A_829] : memref<98304x128xf32, #tpu.memory_space<hbm>> -> memref<384x128xf32, #tpu.memory_space<hbm>>
    %dma_start3A_831 = arith.constant 0 : i32
    %dma_start3A_832 = arith.constant 0 : i32
    %dma_start3A_833 = tpu.memref_slice %arg6[%dma_start3A_820, %dma_start3A_831, %dma_start3A_832] : memref<2x384x128xf32, #tpu.memory_space<vmem>> -> memref<1x384x128xf32, #tpu.memory_space<vmem>>
    %dma_start3A_834 = tpu.memref_squeeze %dma_start3A_833 : memref<1x384x128xf32, #tpu.memory_space<vmem>> -> memref<384x128xf32, #tpu.memory_space<vmem>>
    tpu.enqueue_dma source(%dma_start3A_834 : memref<384x128xf32, #tpu.memory_space<vmem>>) target(%dma_start3A_830 : memref<384x128xf32, #tpu.memory_space<hbm>>) target_semaphore(%arg10 : memref<!tpu.dma_semaphore, #tpu.memory_space<semaphore_mem>>)
    %dma_wait3A_835 = arith.constant 0 : i32
    %dma_wait3A_836 = arith.constant 0 : i32
    %dma_wait3A_837 = arith.constant 0 : i32
    %dma_wait3A_838 = tpu.memref_slice %arg6[%dma_wait3A_835, %dma_wait3A_836, %dma_wait3A_837] : memref<2x384x128xf32, #tpu.memory_space<vmem>> -> memref<1x384x128xf32, #tpu.memory_space<vmem>>
    %dma_wait3A_839 = tpu.memref_squeeze %dma_wait3A_838 : memref<1x384x128xf32, #tpu.memory_space<vmem>> -> memref<384x128xf32, #tpu.memory_space<vmem>>
    %dma_wait3A_840 = tpu.memref_reshape %arg4 : memref<4096x24x128xf32, #tpu.memory_space<hbm>> -> memref<98304x128xf32, #tpu.memory_space<hbm>>
    %dma_wait3A_841 = arith.constant 0 : i32
    %dma_wait3A_842 = tpu.memref_slice %dma_wait3A_840[%add3A_711, %dma_wait3A_841] : memref<98304x128xf32, #tpu.memory_space<hbm>> -> memref<384x128xf32, #tpu.memory_space<hbm>>
    %dma_wait3A_843 = tpu.memref_reshape %arg4 : memref<4096x24x128xf32, #tpu.memory_space<hbm>> -> memref<98304x128xf32, #tpu.memory_space<hbm>>
    %dma_wait3A_844 = arith.constant 0 : i32
    %dma_wait3A_845 = tpu.memref_slice %dma_wait3A_843[%add3A_711, %dma_wait3A_844] : memref<98304x128xf32, #tpu.memory_space<hbm>> -> memref<384x128xf32, #tpu.memory_space<hbm>>
    %dma_wait3A_846 = arith.constant 0 : i32
    %dma_wait3A_847 = arith.constant 0 : i32
    %dma_wait3A_848 = tpu.memref_slice %arg6[%dma_wait3A_835, %dma_wait3A_846, %dma_wait3A_847] : memref<2x384x128xf32, #tpu.memory_space<vmem>> -> memref<1x384x128xf32, #tpu.memory_space<vmem>>
    %dma_wait3A_849 = tpu.memref_squeeze %dma_wait3A_848 : memref<1x384x128xf32, #tpu.memory_space<vmem>> -> memref<384x128xf32, #tpu.memory_space<vmem>>
    tpu.wait_dma2 semaphore(%arg10 : memref<!tpu.dma_semaphore, #tpu.memory_space<semaphore_mem>>) src(%dma_wait3A_849 : memref<384x128xf32, #tpu.memory_space<vmem>>) dst(%dma_wait3A_845 : memref<384x128xf32, #tpu.memory_space<hbm>>)
    %dma_wait3A_850 = arith.constant 1 : i32
    %dma_wait3A_851 = arith.constant 0 : i32
    %dma_wait3A_852 = arith.constant 0 : i32
    %dma_wait3A_853 = tpu.memref_slice %arg6[%dma_wait3A_850, %dma_wait3A_851, %dma_wait3A_852] : memref<2x384x128xf32, #tpu.memory_space<vmem>> -> memref<1x384x128xf32, #tpu.memory_space<vmem>>
    %dma_wait3A_854 = tpu.memref_squeeze %dma_wait3A_853 : memref<1x384x128xf32, #tpu.memory_space<vmem>> -> memref<384x128xf32, #tpu.memory_space<vmem>>
    %dma_wait3A_855 = tpu.memref_reshape %arg4 : memref<4096x24x128xf32, #tpu.memory_space<hbm>> -> memref<98304x128xf32, #tpu.memory_space<hbm>>
    %dma_wait3A_856 = arith.constant 0 : i32
    %dma_wait3A_857 = tpu.memref_slice %dma_wait3A_855[%add3A_819, %dma_wait3A_856] : memref<98304x128xf32, #tpu.memory_space<hbm>> -> memref<384x128xf32, #tpu.memory_space<hbm>>
    %dma_wait3A_858 = tpu.memref_reshape %arg4 : memref<4096x24x128xf32, #tpu.memory_space<hbm>> -> memref<98304x128xf32, #tpu.memory_space<hbm>>
    %dma_wait3A_859 = arith.constant 0 : i32
    %dma_wait3A_860 = tpu.memref_slice %dma_wait3A_858[%add3A_819, %dma_wait3A_859] : memref<98304x128xf32, #tpu.memory_space<hbm>> -> memref<384x128xf32, #tpu.memory_space<hbm>>
    %dma_wait3A_861 = arith.constant 0 : i32
    %dma_wait3A_862 = arith.constant 0 : i32
    %dma_wait3A_863 = tpu.memref_slice %arg6[%dma_wait3A_850, %dma_wait3A_861, %dma_wait3A_862] : memref<2x384x128xf32, #tpu.memory_space<vmem>> -> memref<1x384x128xf32, #tpu.memory_space<vmem>>
    %dma_wait3A_864 = tpu.memref_squeeze %dma_wait3A_863 : memref<1x384x128xf32, #tpu.memory_space<vmem>> -> memref<384x128xf32, #tpu.memory_space<vmem>>
    tpu.wait_dma2 semaphore(%arg10 : memref<!tpu.dma_semaphore, #tpu.memory_space<semaphore_mem>>) src(%dma_wait3A_864 : memref<384x128xf32, #tpu.memory_space<vmem>>) dst(%dma_wait3A_860 : memref<384x128xf32, #tpu.memory_space<hbm>>)
    return
  }
}

module attributes {stable_mosaic.version = 14 : i64} {
  func.func @_table_body(%arg0: memref<123x1000xf32, #tpu.memory_space<vmem>>, %arg1: memref<1000x1000xf32, #tpu.memory_space<vmem>>, %arg2: memref<1000xf32, #tpu.memory_space<vmem>>, %arg3: memref<1000x123xf32, #tpu.memory_space<vmem>>, %arg4: memref<123xf32, #tpu.memory_space<vmem>>, %arg5: memref<128x128xf32, #tpu.memory_space<vmem>>) attributes {dimension_semantics = [], scalar_prefetch = 0 : i64, scratch_operands = 0 : i64, tpu.core_type = #tpu.core_type<tc>} {
    %get3A = arith.constant 0 : index
    %get3A_0 = arith.constant 0 : index
    %get3A_1 = vector.load %arg0[%get3A, %get3A_0] : memref<123x1000xf32, #tpu.memory_space<vmem>>, vector<123x1000xf32>
    %max3A = arith.constant 0.000000e+00 : f32
    %max3A_2 = vector.broadcast %max3A : f32 to vector<123x1000xf32>
    %max3A_3 = arith.maximumf %get3A_1, %max3A_2 : vector<123x1000xf32>
    %get3A_4 = arith.constant 0 : index
    %get3A_5 = arith.constant 0 : index
    %get3A_6 = vector.load %arg1[%get3A_4, %get3A_5] : memref<1000x1000xf32, #tpu.memory_space<vmem>>, vector<1000x1000xf32>
    %dot_general3A = arith.constant dense<0.000000e+00> : vector<123x1000xf32>
    %dot_general3A_7 = tpu.matmul %max3A_3, %get3A_6, %dot_general3A {dimension_numbers = #tpu.dot_dimension_numbers<[1], [0], [0], [1], [0, 0, 1, 1], [], []>, transpose_lhs_hint = false} : vector<123x1000xf32>, vector<1000x1000xf32>, vector<123x1000xf32> -> vector<123x1000xf32>
    %get3A_8 = arith.constant 0 : index
    %get3A_9 = vector.load %arg2[%get3A_8] : memref<1000xf32, #tpu.memory_space<vmem>>, vector<1000xf32>
    %broadcast_in_dim3A = vector.shape_cast %get3A_9 : vector<1000xf32> to vector<1x1000xf32>
    %add3A = vector.broadcast %broadcast_in_dim3A : vector<1x1000xf32> to vector<123x1000xf32>
    %add3A_10 = arith.addf %dot_general3A_7, %add3A : vector<123x1000xf32>
    %max3A_11 = arith.constant 0.000000e+00 : f32
    %max3A_12 = vector.broadcast %max3A_11 : f32 to vector<123x1000xf32>
    %max3A_13 = arith.maximumf %add3A_10, %max3A_12 : vector<123x1000xf32>
    %get3A_14 = arith.constant 0 : index
    %get3A_15 = arith.constant 0 : index
    %get3A_16 = vector.load %arg3[%get3A_14, %get3A_15] : memref<1000x123xf32, #tpu.memory_space<vmem>>, vector<1000x123xf32>
    %dot_general3A_17 = arith.constant dense<0.000000e+00> : vector<123x123xf32>
    %dot_general3A_18 = tpu.matmul %max3A_13, %get3A_16, %dot_general3A_17 {dimension_numbers = #tpu.dot_dimension_numbers<[1], [0], [0], [1], [0, 0, 1, 1], [], []>, transpose_lhs_hint = false} : vector<123x1000xf32>, vector<1000x123xf32>, vector<123x123xf32> -> vector<123x123xf32>
    %get3A_19 = arith.constant 0 : index
    %get3A_20 = vector.load %arg4[%get3A_19] : memref<123xf32, #tpu.memory_space<vmem>>, vector<123xf32>
    %broadcast_in_dim3A_21 = vector.shape_cast %get3A_20 : vector<123xf32> to vector<1x123xf32>
    %add3A_22 = vector.broadcast %broadcast_in_dim3A_21 : vector<1x123xf32> to vector<123x123xf32>
    %add3A_23 = arith.addf %dot_general3A_18, %add3A_22 : vector<123x123xf32>
    %jit3A = arith.constant 0 : i32
    %convert_element_type3A = arith.sitofp %jit3A : i32 to f32
    %pad3A = vector.broadcast %convert_element_type3A : f32 to vector<5x123xf32>
    %pad3A_24 = tpu.concatenate %add3A_23, %pad3A in 0 : vector<123x123xf32>, vector<5x123xf32> -> vector<128x123xf32>
    %pad3A_25 = vector.broadcast %convert_element_type3A : f32 to vector<128x5xf32>
    %pad3A_26 = tpu.concatenate %pad3A_24, %pad3A_25 in 1 : vector<128x123xf32>, vector<128x5xf32> -> vector<128x128xf32>
    %swap3A = arith.constant 0 : index
    %swap3A_27 = arith.constant 0 : index
    %swap3A_28 = vector.load %arg5[%swap3A, %swap3A_27] : memref<128x128xf32, #tpu.memory_space<vmem>>, vector<128x128xf32>
    tpu.vector_store %arg5[%swap3A, %swap3A_27], %pad3A_26 {strides = array<i32>} : memref<128x128xf32, #tpu.memory_space<vmem>>, vector<128x128xf32>,
    return
  }
}

</mosaic_0001>

<sc_bundles>
// kernel: kernel.4.cloned.1.call-start
scs
__scs_entry_jumppad:
0x0: {  	(pc) =	sbr.rel $0x88, $3  }
0x1: {  	(tag) =	ssettag $0x0;
	lr =	simm.s32 $0x1  }
0x2: {  	[smem:$0x3F9B] =	sst lr;
	_ =	strace $0xD0000000  }
0x3: {  	_ = 	snop  }
0x4: {  	_ = 	snop  }
0x5: {  	_ = 	snop  }
0x6: {  	_ = 	snop  }
0x7: {  	_ = 	snop  }
__scs_overlays_trampoline_lowered:
0x8: {  	[smem:$0x3FAA] =	sst s0  }
0x9: {  	[smem:$0x3FAB] =	sst s1  }
0xa: {  	[smem:$0x3FAC] =	sst s2  }
0xb: {  	[smem:$0x3FAD] =	sst s3  }
0xc: {  	[smem:$0x3FAE] =	sst s4  }
0xd: {  	[smem:$0x3FAF] =	sst s5  }
0xe: {  	[smem:$0x3FB0] =	sst s6  }
0xf: {  	[smem:$0x3FB1] =	sst s7  }
0x10: {  	[smem:$0x3FB2] =	sst s8  }
0x11: {  	[smem:$0x3FB3] =	sst s9;
	s0 =	simm.s32 @!p0 $0x0  }
0x12: {  	s1 =	sld [smem:$0x3F99];
	s0 =	simm.s32 @p0 $0x1  }
0x13: {  	[smem:$0x3FB4] =	sst s0;
	s0 =	simm.s32 @!p1 $0x0  }
0x14: {  	s2 =	sld [smem:$0x3F98];
	s0 =	simm.s32 @p1 $0x1  }
0x15: {  	[smem:$0x3FB5] =	sst s0;
	s0 =	simm.s32 @!p2 $0x0  }
0x16: {  	s3 =	sld [smem:$0x3FDB];
	s0 =	simm.s32 @p2 $0x1  }
0x17: {  	s4 =	simm.s32 $0x1BF5;
	[smem:$0x3FB7] =	sst s0  }
0x18: {  	s0 =	sld [smem:$0x3F9A];
	_ =	swait.ge [sflag:s4], $0x0  }
0x19: {  	s7 =	sld [smem:$0x3F9B]  }
0x1a: {  	s8 =	sadd.s32 $0xFFFFE003, lr  }
0x1b: {  	s9 =	sadd.s32 $0xFFFFFEF7, lr;
	s5 =	simm.s32 $0xFFFFFFFF;
	p2 =	slt.u32 s8, $0xFFFFF086  }
0x1c: {  	p1 =	slt.u32 s9, $0xF7A;
	s5 =	simm.s32 @!p2 $0x0  }
0x1d: {  	s5 =	simm.s32 @p1 $0x1;
	p0 =	seq.s32 s7, s2  }
0x1e: {  	s7 =	smul.u32 @!p0 $0xF7A, s2;
	p2 =	seq.s32 @!p0 s5, $0x0  }
0x1f: {  	s9 =	smul.u32 $0xF7A, s1;
	s8 =	simm.s32 @!p0 $0x1BF5;
	p2 =	por !p2, p0  }
0x20: {  	[sflag:s8] =	ssyncset.s32 @!p0 $0xFFFFF086;
	s6 =	sadd.s32 @!p0 s3, s7;
	s7 =	simm.s32 @!p0 $0x108  }
0x21: {  	s3 =	sadd.s32 s3, s9;
	s6 =	sadd.s32 @!p0 $0x88, s6;
	s7 =	simm.s32 @p2 $0x1082  }
0x22: {  	[simem:s7], [sflag:s8] =	dma.local @!p0 [hbm:s6], $0xF7A  }
0x23: {  	s9 =	sor.u32 $0xD0000000, s2;
	s6 =	simm.s32 $0x108;
	_ =	swait.ge @!p0 [sflag:s8], $0x0  }
0x24: {  	s3 =	sadd.s32 $0x88, s3;
	s6 =	simm.s32 @!p1 $0x1082;
	[sflag:s4] =	ssyncset.s32 $0xFFFFF086  }
0x25: {  	[simem:s6], [sflag:s4] =	dma.local [hbm:s3], $0xF7A  }
0x26: {  	[smem:$0x3F9B] =	sst s1;
	(tag) =	ssettag s2;
	_ =	strace s9  }
0x27: {  	s1 =	sld [smem:$0x3FAB]  }
0x28: {  	s2 =	sld [smem:$0x3FAC]  }
0x29: {  	s4 =	sld [smem:$0x3FAE]  }
0x2a: {  	p0 =	seq.s32 s5, $0x0;
	s5 =	sld [smem:$0x3FAF]  }
0x2b: {  	s6 =	sld [smem:$0x3FB0]  }
0x2c: {  	s7 =	sld [smem:$0x3FB1]  }
0x2d: {  	s3 =	simm.s32 $0x108;
	s8 =	sld [smem:$0x3FB2]  }
0x2e: {  	s3 =	simm.s32 @!p0 $0x1082;
	s9 =	sld [smem:$0x3FB3]  }
0x2f: {  	lr =	sadd.s32 s0, s3;
	s0 =	sld [smem:$0x3FAA]  }
0x30: {  	s3 =	sld [smem:$0x3FAD]  }
0x31: {  	[smem:$0x3FB6] =	sst s10  }
0x32: {  	s10 =	sld [smem:$0x3FB4];
	_ =	sdelay $0x3  }
0x33: {  	p0 =	seq.s32 s10, $0x1;
	s10 =	sld [smem:$0x3FB6];
	_ =	sdelay $0x3  }
0x34: {  	[smem:$0x3FB6] =	sst s10  }
0x35: {  	s10 =	sld [smem:$0x3FB5];
	_ =	sdelay $0x3  }
0x36: {  	p1 =	seq.s32 s10, $0x1;
	s10 =	sld [smem:$0x3FB6];
	_ =	sdelay $0x3  }
0x37: {  	[smem:$0x3FB6] =	sst s10  }
0x38: {  	s10 =	sld [smem:$0x3FB7]  }
0x39: {  	_ = 	snop;
	(pc) =	sbr.ind lr, $3  }
0x3a: {  	_ = 	snop  }
0x3b: {  	_ = 	snop  }
0x3c: {  	p2 =	seq.s32 s10, $0x1;
	s10 =	sld [smem:$0x3FB6]  }
0x3d: {  	_ =	shalt  }
0x3e: {  	_ =	shalt  }
0x3f: {  	_ =	shalt  }
0x40: {  	_ =	shalt  }
0x41: {  	_ =	shalt  }
0x42: {  	_ =	shalt  }
0x43: {  	_ =	shalt  }
0x44: {  	_ =	shalt  }
0x45: {  	_ =	shalt  }
0x46: {  	_ =	shalt  }
0x47: {  	_ =	shalt  }
0x48: {  	_ =	shalt  }
0x49: {  	_ =	shalt  }
0x4a: {  	_ =	shalt  }
0x4b: {  	_ =	shalt  }
0x4c: {  	_ =	shalt  }
0x4d: {  	_ =	shalt  }
0x4e: {  	_ =	shalt  }
0x4f: {  	_ =	shalt  }
0x50: {  	_ =	shalt  }
0x51: {  	_ =	shalt  }
0x52: {  	_ =	shalt  }
0x53: {  	_ =	shalt  }
0x54: {  	_ =	shalt  }
0x55: {  	_ =	shalt  }
0x56: {  	_ =	shalt  }
0x57: {  	_ =	shalt  }
0x58: {  	_ =	shalt  }
0x59: {  	_ =	shalt  }
0x5a: {  	_ =	shalt  }
0x5b: {  	_ =	shalt  }
0x5c: {  	_ =	shalt  }
0x5d: {  	_ =	shalt  }
0x5e: {  	_ =	shalt  }
0x5f: {  	_ =	shalt  }
0x60: {  	_ =	shalt  }
0x61: {  	_ =	shalt  }
0x62: {  	_ =	shalt  }
0x63: {  	_ =	shalt  }
0x64: {  	_ =	shalt  }
0x65: {  	_ =	shalt  }
0x66: {  	_ =	shalt  }
0x67: {  	_ =	shalt  }
0x68: {  	_ =	shalt  }
0x69: {  	_ =	shalt  }
0x6a: {  	_ =	shalt  }
0x6b: {  	_ =	shalt  }
0x6c: {  	_ =	shalt  }
0x6d: {  	_ =	shalt  }
0x6e: {  	_ =	shalt  }
0x6f: {  	_ =	shalt  }
0x70: {  	_ =	shalt  }
0x71: {  	_ =	shalt  }
0x72: {  	_ =	shalt  }
0x73: {  	_ =	shalt  }
0x74: {  	_ =	shalt  }
0x75: {  	_ =	shalt  }
0x76: {  	_ =	shalt  }
0x77: {  	_ =	shalt  }
0x78: {  	_ =	shalt  }
0x79: {  	_ =	shalt  }
0x7a: {  	_ =	shalt  }
0x7b: {  	_ =	shalt  }
0x7c: {  	_ =	shalt  }
0x7d: {  	_ =	shalt  }
0x7e: {  	_ =	shalt  }
0x7f: {  	_ =	shalt  }
0x80: {  	_ =	shalt  }
0x81: {  	_ =	shalt  }
0x82: {  	_ =	shalt  }
0x83: {  	_ =	shalt  }
0x84: {  	_ =	shalt  }
0x85: {  	_ =	shalt  }
0x86: {  	_ =	shalt  }
0x87: {  	_ =	shalt  }
.Lfunc_end0:
.L_simem_size_0:
called_computation.1_lowered:
.L_overlay_start_0:
0x88: {  	s2 =	sld [smem:$0x3FD9]  }
0x89: {  	s3 =	sld [smem:$0x3FFE];
	_ =	sdelay $0x1  }
0x8a: {  	s1 =	srdreg.scid  }
0x8b: {  	s0 =	sand.u32 $0x1, s1  }
0x8c: {  	s17 =	sshll.u32 s0, $0xA;
	s2 =	sadd.s32 s3, s2  }
0x8d: {  	s2 =	sadd.s32 s2, s17  }
0x8e: {  	[smem:$0x3FC2] =	sst s2  }
0x8f: {  	_ = 	snop  }
0x90: {  	s2 =	sld [smem:$0x3FD0];
	(tm) =	ssettm $0x1  }
0x91: {  	s18 =	sld [smem:$0x3FFB];
	_ =	sdelay $0x3  }
0x92: {  	_ =	strace s18  }
0x93: {  	s3 =	sld [smem:$0x3FFC];
	_ =	sdelay $0x3  }
0x94: {  	_ =	strace s3  }
0x95: {  	s3 =	sld [smem:$0x3FFD];
	_ =	sdelay $0x3  }
0x96: {  	_ =	strace s3  }
0x97: {  	_ =	strace $0x8FFFFFFF  }
0x98: {  	s19 =	sld [smem:$0x3FDB];
	_ =	sdelay $0x1  }
0x99: {  	s4 =	simm.s32 $_scs_section_size  }
0x9a: {  	s5 =	simm.s32 $_size__tile_overlayer_lowered;
	s6 =	simm.s32 $_tile_overlayer_lowered  }
0x9b: {  	s22 =	simm.s32 $0x1BFF;
	s21 =	sshll.u32 s6, $0x1;
	s3 =	sadd.s32 s4, s19  }
0x9c: {  	s7 =	simm.s32 $0x0;
	s20 =	sshll.u32 s5, $0x1;
	s5 =	sadd.s32 s21, s3  }
0x9d: {  	[timem:s7], [sflag:s22] =	dma.local [hbm:s5], s20  }
0x9e: {  	_ =	swait.ge [sflag:s22], s20  }
0x9f: {  	s4 =	ssub.s32 $0x0, s20;
	[sflag:s22] =	ssyncset.done $0x0  }
0xa0: {  	[sflag:s22] =	ssyncadd.s32 s4;
	_ =	sdelay $0x1  }
0xa1: {  	s23 =	simm.s32 $0x1B8B  }
0xa2: {  	_ =	swait.ge [sflag:s23], $0x1  }
0xa3: {  	[sflag:s23] =	ssyncset.done $0x0  }
0xa4: {  	s25 =	simm.s32 $0x1B8E;
	s24 =	sld [smem:$0x3FFE];
	[sflag:s23] =	ssyncadd.s32 $0xFFFFFFFF  }
0xa5: {  	s26 =	simm.s32 $execute0_lowered;
	[smem:$0x3FD2] =	sst s25  }
0xa6: {  	s5 =	sshll.u32 s26, $0x1;
	_ =	strace $0x80000046;
	[dreg:$0x1] =	wrdreg $0xFFFFFFFF  }
0xa7: {  	s28 =	simm.s32 $_size_execute0_lowered;
	s3 =	sadd.s32 s3, s5;
	[dreg:$0x0] =	wrdreg $0x0  }
0xa8: {  	s5 =	sshll.u32 s28, $0x1;
	[dreg:$0x2] =	wrdreg s3  }
0xa9: {  	[dreg:$0x3] =	wrdreg s5  }
0xaa: {  	[dreg:$0x4] =	wrdreg $0xC0  }
0xab: {  	_ =	task [dreg:s7], $0x5FFFF  }
0xac: {  	[dreg:$0x1] =	wrdreg $0xFFFFFFFF  }
0xad: {  	[dreg:$0x0] =	wrdreg $0x60  }
0xae: {  	[dreg:$0x2] =	wrdreg s2  }
0xaf: {  	[dreg:$0x3] =	wrdreg s24  }
0xb0: {  	[dreg:$0x4] =	wrdreg $0x18C000  }
0xb1: {  	[dreg:$0x5] =	wrdreg $0x9  }
0xb2: {  	_ =	task.clear_ibuf [dreg:s7], $0x6FFFF;
	_ =	strace $0x90000046  }
0xb3: {  	s29 =	simm.s32 $0x9;
	_ =	strace $0x80000048  }
0xb4: {  	_ =	swait.ge [sflag:s29], $0x1  }
0xb5: {  	[sflag:s29] =	ssyncadd.s32 $0xFFFFFFFF  }
0xb6: {  	_ =	strace $0x90000048  }
0xb7: {  	_ =	sfence  }
0xb8: {  	s30 =	sld [smem:$0x0];
	_ =	sdelay $0x2  }
0xb9: {  	s31 =	sshll.u32 s1, $0xD;
	s1 =	sshrl.u32 s1, $0x2  }
0xba: {  	s3 =	sand.u32 $0x4000, s31;
	s1 =	sadd.s32 s1, s30  }
0xbb: {  	s0 =	sor.u32 s3, s0;
	s1 =	sshll.u32 s1, $0x11  }
0xbc: {  	s0 =	sor.u32 s1, s0  }
0xbd: {  	s0 =	sadd.s32 $0x8F2B, s0  }
0xbe: {  	[sflag:s0] =	ssyncadd.remote.s32 $0x1  }
0xbf: {  	_ =	sfence.sel $0xFFFF  }
0xc0: {  	[dreg:$0x0] =	wrdreg $0xFFFFFFFF;
	(pc) =	sbr.abs _section_cstart, $3  }
0xc1: {  	[dreg:$0x1] =	wrdreg $0xFFFFFFFF  }
0xc2: {  	_ =	task.clear_ibuf [dreg:s7], $0x2FFFF;
	_ =	strace $0x9FFFFFFF  }
0xc3: {  	(tm) =	ssettm $0x7FFFFFFF  }
tec
execute0_lowered:
.L_overlay_start_1:
0x0: {  	(tag) =	ssettag $0x1  }
0x1: {  	s0 =	rddreg [dreg:$0x0]  }
0x2: {  	s3 =	rddreg [dreg:$0x1]  }
0x3: {  	s1 =	srdreg.scid;
	s2 =	rddreg [dreg:$0x2]  }
0x4: {  	s4 =	stileid.u32;
	s30 =	rddreg [dreg:$0x3]  }
0x5: {  	s28 =	simm.s32 $0x4;
	s19 =	simm.s32 $0x100;
	s20 =	simm.s32 $0x180  }
0x6: {  	s21 =	simm.s32 $0x200;
	s5 =	sand.u32 $0x1, s1;
	s1 =	simm.s32 $0x0  }
0x7: {  	s22 =	simm.s32 $0x280;
	s9 =	sadd.s32 $0x1200, s3;
	[smem:$0x7FF] =	sst s1  }
0x8: {  	s23 =	simm.s32 $0x300;
	_ =	strace $0x80000047;
	[dreg:$0x4] =	wrdreg s9  }
0x9: {  	s24 =	simm.s32 $0x380;
	s26 =	simm.s32 $0x400;
	[dreg:$0xe] =	wrdreg s19  }
0xa: {  	s29 =	simm.s32 $0x480;
	s31 =	simm.s32 $0x500;
	[dreg:$0xf] =	wrdreg s20  }
0xb: {  	p1 =	por $0x0, $0x0;
	s6 =	sshll.u32 s4, $0x1;
	[dreg:$0x10] =	wrdreg s21  }
0xc: {  	s3 =	sadd.s32 $0x1A00, s3;
	s6 =	sor.u32 s5, s6;
	[dreg:$0x11] =	wrdreg s22  }
0xd: {  	p0 =	sne.s32 s4, $0x0;
	s7 =	smul.u32 $0x180, s6;
	[dreg:$0x12] =	wrdreg s23  }
0xe: {  	s4 =	simm.s32 $0xCC00;
	s8 =	smul.u32 $0xC000, s6;
	[dreg:$0x13] =	wrdreg s24  }
0xf: {  	s5 =	ssub.s32 $0x2, s5;
	s6 =	smul.u32 $0x60000, s6;
	[dreg:$0x14] =	wrdreg s26  }
0x10: {  	s15 =	sshrl.u32 s5, $0x1;
	s9 =	simm.s32 $0x10C00;
	[dreg:$0x15] =	wrdreg s29  }
0x11: {  	[dreg:$0x16] =	wrdreg s31;
	s26 =	simm.s32 $0x580;
	s22 =	simm.s32 $0x600  }
0x12: {  	s23 =	simm.s32 $0x680;
	s24 =	simm.s32 $0x700;
	s19 =	simm.s32 $0x780  }
0x13: {  	s20 =	simm.s32 $0x800;
	s21 =	simm.s32 $0x880;
	s18 =	ssub.s32 s5, s15  }
0x14: {  	s5 =	simm.s32 $0xC00;
	s15 =	simm.s32 $0xB80;
	s0 =	sadd.s32 s0, s7  }
0x15: {  	s25 =	sadd.s32 s3, s8;
	s6 =	sshrl.u32 s6, $0x3;
	s8 =	simm.s32 $0x1  }
0x16: {  	s7 =	simm.s32 $0x2;
	[dreg:$0x5] =	wrdreg s0;
	s10 =	sadd.s32 $0x1800, s25  }
0x17: {  	s11 =	sadd.s32 $0x3000, s25;
	s3 =	sadd.s32 s3, s6;
	[dreg:$0x6] =	wrdreg s10  }
0x18: {  	s0 =	sshrl.u32 @!p0 s2, $0x3;
	[dreg:$0x7] =	wrdreg s11;
	s13 =	sadd.s32 $0x6000, s3  }
0x19: {  	s6 =	simm.s32 $0x3;
	[dreg:$0x9] =	wrdreg s13;
	s13 =	smax.u32 s18, $0x1  }
0x1a: {  	s12 =	sadd.s32 $0x4800, s3;
	[dreg:$0xd] =	wrdreg s0;
	s13 =	sadd.s32 $0xFFFFFFFF, s13  }
0x1b: {  	s14 =	sadd.s32 $0x7800, s3;
	[dreg:$0x8] =	wrdreg s12;
	p2 =	sne.s32 s13, $0x0  }
.Ltmp0:
0x1c: {  	s16 =	sadd.s32 $0x9000, s3;
	[dreg:$0xa] =	wrdreg s14;
	(pc) =	sbr.rel @!p2 .LBB2_1-.Ltmp0, $4  }
0x1d: {  	s17 =	sadd.s32 $0xA800, s3;
	s3 =	simm.s32 $0x80;
	[dreg:$0xb] =	wrdreg s16  }
0x1e: {  	s11 =	simm.s32 $0x4C00;
	s10 =	simm.s32 $0x14C00;
	[dreg:$0xc] =	wrdreg s17  }
0x1f: {  	s12 =	simm.s32 $0x8C00;
	s16 =	simm.s32 $0x900;
	s17 =	simm.s32 $0x980  }
0x20: {  	s18 =	simm.s32 $0xA00;
	s14 =	simm.s32 $0xB00;
	s0 =	rddreg [dreg:$0xd]  }
0x21: {  	s31 =	rddreg [dreg:$0x4];
	s29 =	simm.s32 @!p0 $0x1C04;
	s30 =	simm.s32 @!p0 $0x4  }
0x22: {  	[spmem:s0], [sflag:s29] =	dma.local @!p0 [hbm:s31], $0x800  }
0x23: {  	_ =	swait.ge @!p0 [sflag:s30], $0x800  }
0x24: {  	[sflag:s30] =	ssyncset.done @!p0 $0x0  }
0x25: {  	s0 =	rddreg [dreg:$0x5];
	[sflag:s30] =	ssyncadd.s32 @!p0 $0xFFFFF800  }
0x26: {  	[tilespmem:s1], [sflag:$0x4] =	stream.linear.gather [hbm4b:s0+s1], $0xC00, $0x38;
	[tilespmem:$0x19000] =	vst v63  }
0x27: {  	_ =	swait.ge [sflag:s28], $0xC00  }
0x28: {  	[sflag:s28] =	ssyncset.done $0x0  }
0x29: {  	[sflag:s28] =	ssyncadd.s32 $0xFFFFF400  }
0x2a: {  	[bflag:$0x0] =	sbarrier.arrive $0xFFFF  }
0x2b: {  	[tilespmem:s5], [sflag:$0x1] =	stream.indirect.gather [spmem:s2], $0x80, s1, s3, $0xb8;
	[tilespmem:$0x19000] =	vst v63  }
0x2c: {  	_ = 	snop  }
0x2d: {  	[tilespmem:s11], [sflag:$0x1] =	stream.indirect.gather [spmem:s2], $0x80, s3, s3, $0xb8;
	[tilespmem:$0x19000] =	vst v63  }
0x2e: {  	s0 =	rddreg [dreg:$0xe]  }
0x2f: {  	[tilespmem:s12], [sflag:$0x1] =	stream.indirect.gather [spmem:s2], $0x80, s0, s3, $0xb8;
	[tilespmem:$0x19000] =	vst v63  }
0x30: {  	_ =	swait.ge [sflag:s8], $0x4000  }
0x31: {  	[sflag:s8] =	ssyncset.done $0x0  }
0x32: {  	[sflag:s8] =	ssyncadd.s32 $0xFFFFC000  }
0x33: {  	_ =	swait.ge [sflag:s8], $0x4000  }
0x34: {  	[sflag:s8] =	ssyncset.done $0x0  }
0x35: {  	[sflag:s8] =	ssyncadd.s32 $0xFFFFC000  }
0x36: {  	_ =	swait.ge [sflag:s8], $0x4000  }
0x37: {  	[sflag:s8] =	ssyncset.done $0x0  }
0x38: {  	[sflag:s8] =	ssyncadd.s32 $0xFFFFC000  }
0x39: {  	[hbm4b:s25+s1] =	stream.linear.scatter [tilespmem:s5], [sflag:$0x3], $0xC000, $0x38;
	[tilespmem:$0x19000] =	vst v63  }
0x3a: {  	s0 =	rddreg [dreg:$0xf]  }
0x3b: {  	[tilespmem:s4], [sflag:$0x2] =	stream.indirect.gather [spmem:s2], $0x80, s0, s3, $0xb8;
	[tilespmem:$0x19000] =	vst v63  }
0x3c: {  	s31 =	rddreg [dreg:$0x10]  }
0x3d: {  	[tilespmem:s9], [sflag:$0x2] =	stream.indirect.gather [spmem:s2], $0x80, s31, s3, $0xb8;
	[tilespmem:$0x19000] =	vst v63  }
0x3e: {  	s0 =	rddreg [dreg:$0x11]  }
0x3f: {  	[tilespmem:s10], [sflag:$0x2] =	stream.indirect.gather [spmem:s2], $0x80, s0, s3, $0xb8;
	[tilespmem:$0x19000] =	vst v63  }
0x40: {  	_ =	swait.ge [sflag:s7], $0x4000  }
0x41: {  	[sflag:s7] =	ssyncset.done $0x0  }
0x42: {  	[sflag:s7] =	ssyncadd.s32 $0xFFFFC000  }
0x43: {  	_ =	swait.ge [sflag:s7], $0x4000  }
0x44: {  	[sflag:s7] =	ssyncset.done $0x0  }
0x45: {  	[sflag:s7] =	ssyncadd.s32 $0xFFFFC000  }
0x46: {  	_ =	swait.ge [sflag:s7], $0x4000  }
0x47: {  	[sflag:s7] =	ssyncset.done $0x0  }
0x48: {  	s0 =	rddreg [dreg:$0x6];
	[sflag:s7] =	ssyncadd.s32 $0xFFFFC000  }
0x49: {  	[hbm4b:s0+s1] =	stream.linear.scatter [tilespmem:s4], [sflag:$0x3], $0xC000, $0x38;
	[tilespmem:$0x19000] =	vst v63  }
0x4a: {  	_ =	swait.ge [sflag:s6], $0xC000  }
0x4b: {  	[sflag:s6] =	ssyncset.done $0x0  }
0x4c: {  	s0 =	rddreg [dreg:$0x12];
	[sflag:s6] =	ssyncadd.s32 $0xFFFF4000  }
0x4d: {  	[tilespmem:s5], [sflag:$0x1] =	stream.indirect.gather [spmem:s2], $0x80, s0, s3, $0xb8;
	[tilespmem:$0x19000] =	vst v63  }
0x4e: {  	s31 =	rddreg [dreg:$0x13]  }
0x4f: {  	[tilespmem:s11], [sflag:$0x1] =	stream.indirect.gather [spmem:s2], $0x80, s31, s3, $0xb8;
	[tilespmem:$0x19000] =	vst v63  }
0x50: {  	s0 =	rddreg [dreg:$0x14]  }
0x51: {  	[tilespmem:s12], [sflag:$0x1] =	stream.indirect.gather [spmem:s2], $0x80, s0, s3, $0xb8;
	[tilespmem:$0x19000] =	vst v63  }
0x52: {  	_ =	swait.ge [sflag:s8], $0x4000  }
0x53: {  	[sflag:s8] =	ssyncset.done $0x0  }
0x54: {  	[sflag:s8] =	ssyncadd.s32 $0xFFFFC000  }
0x55: {  	_ =	swait.ge [sflag:s8], $0x4000  }
0x56: {  	[sflag:s8] =	ssyncset.done $0x0  }
0x57: {  	[sflag:s8] =	ssyncadd.s32 $0xFFFFC000  }
0x58: {  	_ =	swait.ge [sflag:s8], $0x4000  }
0x59: {  	[sflag:s8] =	ssyncset.done $0x0  }
0x5a: {  	s0 =	rddreg [dreg:$0x7];
	[sflag:s8] =	ssyncadd.s32 $0xFFFFC000  }
0x5b: {  	[hbm4b:s0+s1] =	stream.linear.scatter [tilespmem:s5], [sflag:$0x3], $0xC000, $0x38;
	[tilespmem:$0x19000] =	vst v63  }
0x5c: {  	_ =	swait.ge [sflag:s6], $0xC000  }
0x5d: {  	[sflag:s6] =	ssyncset.done $0x0  }
0x5e: {  	s0 =	rddreg [dreg:$0x15];
	[sflag:s6] =	ssyncadd.s32 $0xFFFF4000  }
0x5f: {  	[tilespmem:s4], [sflag:$0x2] =	stream.indirect.gather [spmem:s2], $0x80, s0, s3, $0xb8;
	[tilespmem:$0x19000] =	vst v63  }
0x60: {  	s31 =	rddreg [dreg:$0x16]  }
0x61: {  	[tilespmem:s9], [sflag:$0x2] =	stream.indirect.gather [spmem:s2], $0x80, s31, s3, $0xb8;
	[tilespmem:$0x19000] =	vst v63  }
0x62: {  	_ = 	snop  }
0x63: {  	[tilespmem:s10], [sflag:$0x2] =	stream.indirect.gather [spmem:s2], $0x80, s26, s3, $0xb8;
	[tilespmem:$0x19000] =	vst v63  }
0x64: {  	_ =	swait.ge [sflag:s7], $0x4000  }
0x65: {  	[sflag:s7] =	ssyncset.done $0x0  }
0x66: {  	[sflag:s7] =	ssyncadd.s32 $0xFFFFC000  }
0x67: {  	_ =	swait.ge [sflag:s7], $0x4000  }
0x68: {  	[sflag:s7] =	ssyncset.done $0x0  }
0x69: {  	[sflag:s7] =	ssyncadd.s32 $0xFFFFC000  }
0x6a: {  	_ =	swait.ge [sflag:s7], $0x4000  }
0x6b: {  	[sflag:s7] =	ssyncset.done $0x0  }
0x6c: {  	s0 =	rddreg [dreg:$0x8];
	[sflag:s7] =	ssyncadd.s32 $0xFFFFC000  }
0x6d: {  	[hbm4b:s0+s1] =	stream.linear.scatter [tilespmem:s4], [sflag:$0x3], $0xC000, $0x38;
	[tilespmem:$0x19000] =	vst v63  }
0x6e: {  	_ =	swait.ge [sflag:s6], $0xC000  }
0x6f: {  	[sflag:s6] =	ssyncset.done $0x0  }
0x70: {  	[sflag:s6] =	ssyncadd.s32 $0xFFFF4000  }
0x71: {  	[tilespmem:s5], [sflag:$0x1] =	stream.indirect.gather [spmem:s2], $0x80, s22, s3, $0xb8;
	[tilespmem:$0x19000] =	vst v63  }
0x72: {  	_ = 	snop  }
0x73: {  	[tilespmem:s11], [sflag:$0x1] =	stream.indirect.gather [spmem:s2], $0x80, s23, s3, $0xb8;
	[tilespmem:$0x19000] =	vst v63  }
0x74: {  	_ = 	snop  }
0x75: {  	[tilespmem:s12], [sflag:$0x1] =	stream.indirect.gather [spmem:s2], $0x80, s24, s3, $0xb8;
	[tilespmem:$0x19000] =	vst v63  }
0x76: {  	_ =	swait.ge [sflag:s8], $0x4000  }
0x77: {  	[sflag:s8] =	ssyncset.done $0x0  }
0x78: {  	[sflag:s8] =	ssyncadd.s32 $0xFFFFC000  }
0x79: {  	_ =	swait.ge [sflag:s8], $0x4000  }
0x7a: {  	[sflag:s8] =	ssyncset.done $0x0  }
0x7b: {  	[sflag:s8] =	ssyncadd.s32 $0xFFFFC000  }
0x7c: {  	_ =	swait.ge [sflag:s8], $0x4000  }
0x7d: {  	[sflag:s8] =	ssyncset.done $0x0  }
0x7e: {  	s0 =	rddreg [dreg:$0x9];
	[sflag:s8] =	ssyncadd.s32 $0xFFFFC000  }
0x7f: {  	[hbm4b:s0+s1] =	stream.linear.scatter [tilespmem:s5], [sflag:$0x3], $0xC000, $0x38;
	[tilespmem:$0x19000] =	vst v63  }
0x80: {  	_ =	swait.ge [sflag:s6], $0xC000  }
0x81: {  	[sflag:s6] =	ssyncset.done $0x0  }
0x82: {  	[sflag:s6] =	ssyncadd.s32 $0xFFFF4000  }
0x83: {  	[tilespmem:s4], [sflag:$0x2] =	stream.indirect.gather [spmem:s2], $0x80, s19, s3, $0xb8;
	[tilespmem:$0x19000] =	vst v63  }
0x84: {  	_ = 	snop  }
0x85: {  	[tilespmem:s9], [sflag:$0x2] =	stream.indirect.gather [spmem:s2], $0x80, s20, s3, $0xb8;
	[tilespmem:$0x19000] =	vst v63  }
0x86: {  	_ = 	snop  }
0x87: {  	[tilespmem:s10], [sflag:$0x2] =	stream.indirect.gather [spmem:s2], $0x80, s21, s3, $0xb8;
	[tilespmem:$0x19000] =	vst v63  }
0x88: {  	_ =	swait.ge [sflag:s7], $0x4000  }
0x89: {  	[sflag:s7] =	ssyncset.done $0x0  }
0x8a: {  	[sflag:s7] =	ssyncadd.s32 $0xFFFFC000  }
0x8b: {  	_ =	swait.ge [sflag:s7], $0x4000  }
0x8c: {  	[sflag:s7] =	ssyncset.done $0x0  }
0x8d: {  	[sflag:s7] =	ssyncadd.s32 $0xFFFFC000  }
0x8e: {  	_ =	swait.ge [sflag:s7], $0x4000  }
0x8f: {  	[sflag:s7] =	ssyncset.done $0x0  }
0x90: {  	s0 =	rddreg [dreg:$0xa];
	[sflag:s7] =	ssyncadd.s32 $0xFFFFC000  }
0x91: {  	[hbm4b:s0+s1] =	stream.linear.scatter [tilespmem:s4], [sflag:$0x3], $0xC000, $0x38;
	[tilespmem:$0x19000] =	vst v63  }
0x92: {  	_ =	swait.ge [sflag:s6], $0xC000  }
0x93: {  	[sflag:s6] =	ssyncset.done $0x0  }
0x94: {  	[sflag:s6] =	ssyncadd.s32 $0xFFFF4000  }
0x95: {  	[tilespmem:s5], [sflag:$0x1] =	stream.indirect.gather [spmem:s2], $0x80, s16, s3, $0xb8;
	[tilespmem:$0x19000] =	vst v63  }
0x96: {  	_ = 	snop  }
0x97: {  	[tilespmem:s11], [sflag:$0x1] =	stream.indirect.gather [spmem:s2], $0x80, s17, s3, $0xb8;
	[tilespmem:$0x19000] =	vst v63  }
0x98: {  	_ = 	snop  }
0x99: {  	[tilespmem:s12], [sflag:$0x1] =	stream.indirect.gather [spmem:s2], $0x80, s18, s3, $0xb8;
	[tilespmem:$0x19000] =	vst v63  }
0x9a: {  	_ =	swait.ge [sflag:s8], $0x4000  }
0x9b: {  	[sflag:s8] =	ssyncset.done $0x0  }
0x9c: {  	[sflag:s8] =	ssyncadd.s32 $0xFFFFC000  }
0x9d: {  	_ =	swait.ge [sflag:s8], $0x4000  }
0x9e: {  	[sflag:s8] =	ssyncset.done $0x0  }
0x9f: {  	[sflag:s8] =	ssyncadd.s32 $0xFFFFC000  }
0xa0: {  	_ =	swait.ge [sflag:s8], $0x4000  }
0xa1: {  	[sflag:s8] =	ssyncset.done $0x0  }
0xa2: {  	s0 =	rddreg [dreg:$0xb];
	[sflag:s8] =	ssyncadd.s32 $0xFFFFC000  }
0xa3: {  	[hbm4b:s0+s1] =	stream.linear.scatter [tilespmem:s5], [sflag:$0x3], $0xC000, $0x38;
	[tilespmem:$0x19000] =	vst v63  }
0xa4: {  	_ =	swait.ge [sflag:s6], $0xC000  }
0xa5: {  	[sflag:s6] =	ssyncset.done $0x0  }
0xa6: {  	s0 =	simm.s32 $0xA80;
	[sflag:s6] =	ssyncadd.s32 $0xFFFF4000  }
0xa7: {  	[tilespmem:s4], [sflag:$0x2] =	stream.indirect.gather [spmem:s2], $0x80, s0, s3, $0xb8;
	[tilespmem:$0x19000] =	vst v63  }
0xa8: {  	_ = 	snop  }
0xa9: {  	[tilespmem:s9], [sflag:$0x2] =	stream.indirect.gather [spmem:s2], $0x80, s14, s3, $0xb8;
	[tilespmem:$0x19000] =	vst v63  }
0xaa: {  	_ = 	snop  }
0xab: {  	[tilespmem:s10], [sflag:$0x2] =	stream.indirect.gather [spmem:s2], $0x80, s15, s3, $0xb8;
	[tilespmem:$0x19000] =	vst v63  }
0xac: {  	_ =	swait.ge [sflag:s7], $0x4000  }
0xad: {  	[sflag:s7] =	ssyncset.done $0x0  }
0xae: {  	[sflag:s7] =	ssyncadd.s32 $0xFFFFC000  }
0xaf: {  	_ =	swait.ge [sflag:s7], $0x4000  }
0xb0: {  	[sflag:s7] =	ssyncset.done $0x0  }
0xb1: {  	[sflag:s7] =	ssyncadd.s32 $0xFFFFC000  }
0xb2: {  	_ =	swait.ge [sflag:s7], $0x4000  }
0xb3: {  	s31 =	sadd.s32 $0xFFFFFFFF, s13;
	[sflag:s7] =	ssyncset.done $0x0  }
0xb4: {  	p2 =	sne.s32 s31, $0x0;
	s0 =	rddreg [dreg:$0xc];
	[sflag:s7] =	ssyncadd.s32 $0xFFFFC000  }
0xb5: {  	[hbm4b:s0+s1] =	stream.linear.scatter [tilespmem:s4], [sflag:$0x3], $0xC000, $0x38;
	[tilespmem:$0x19000] =	vst v63  }
.Ltmp1:
0xb6: {  	_ =	swait.ge [sflag:s6], $0xC000;
	(pc) =	sbr.rel @!p2 .LBB2_3-.Ltmp1, $4  }
0xb7: {  	[sflag:s6] =	ssyncset.done $0x0  }
0xb8: {  	[sflag:s6] =	ssyncadd.s32 $0xFFFF4000  }
0xb9: {  	_ =	swait.ge [sflag:s6], $0xC000  }
0xba: {  	p1 =	por $0x1, $0x1;
	s0 =	rddreg [dreg:$0xd];
	[sflag:s6] =	ssyncset.done $0x0  }
.LBB2_4:
0xbb: {  	s13 =	rddreg [dreg:$0x4];
	[sflag:s6] =	ssyncadd.s32 $0xFFFF4000  }
0xbc: {  	[spmem:s0], [sflag:s29] =	dma.local @!p0 [hbm:s13], $0x800  }
0xbd: {  	_ =	swait.ge @!p0 [sflag:s30], $0x800  }
0xbe: {  	[sflag:s30] =	ssyncset.done @!p0 $0x0  }
0xbf: {  	s13 =	rddreg [dreg:$0x5];
	[sflag:s30] =	ssyncadd.s32 @!p0 $0xFFFFF800  }
0xc0: {  	[tilespmem:s1], [sflag:$0x4] =	stream.linear.gather [hbm4b:s13+s1], $0xC00, $0x38;
	[tilespmem:$0x19000] =	vst v63  }
0xc1: {  	_ =	swait.ge [sflag:s28], $0xC00  }
0xc2: {  	[sflag:s28] =	ssyncset.done $0x0  }
0xc3: {  	[sflag:s28] =	ssyncadd.s32 $0xFFFFF400  }
0xc4: {  	[bflag:$0x0] =	sbarrier.arrive $0xFFFF  }
0xc5: {  	[tilespmem:s5], [sflag:$0x1] =	stream.indirect.gather [spmem:s2], $0x80, s1, s3, $0xb8;
	[tilespmem:$0x19000] =	vst v63  }
0xc6: {  	_ = 	snop  }
0xc7: {  	[tilespmem:s11], [sflag:$0x1] =	stream.indirect.gather [spmem:s2], $0x80, s3, s3, $0xb8;
	[tilespmem:$0x19000] =	vst v63  }
0xc8: {  	s13 =	rddreg [dreg:$0xe]  }
0xc9: {  	[tilespmem:s12], [sflag:$0x1] =	stream.indirect.gather [spmem:s2], $0x80, s13, s3, $0xb8;
	[tilespmem:$0x19000] =	vst v63  }
0xca: {  	_ =	swait.ge [sflag:s8], $0x4000  }
0xcb: {  	[sflag:s8] =	ssyncset.done $0x0  }
0xcc: {  	[sflag:s8] =	ssyncadd.s32 $0xFFFFC000  }
0xcd: {  	_ =	swait.ge [sflag:s8], $0x4000  }
0xce: {  	[sflag:s8] =	ssyncset.done $0x0  }
0xcf: {  	[sflag:s8] =	ssyncadd.s32 $0xFFFFC000  }
0xd0: {  	_ =	swait.ge [sflag:s8], $0x4000  }
0xd1: {  	[sflag:s8] =	ssyncset.done $0x0  }
0xd2: {  	[sflag:s8] =	ssyncadd.s32 $0xFFFFC000  }
0xd3: {  	[hbm4b:s25+s1] =	stream.linear.scatter [tilespmem:s5], [sflag:$0x3], $0xC000, $0x38;
	[tilespmem:$0x19000] =	vst v63  }
0xd4: {  	s0 =	rddreg [dreg:$0xf]  }
0xd5: {  	[tilespmem:s4], [sflag:$0x2] =	stream.indirect.gather [spmem:s2], $0x80, s0, s3, $0xb8;
	[tilespmem:$0x19000] =	vst v63  }
0xd6: {  	s13 =	rddreg [dreg:$0x10]  }
0xd7: {  	[tilespmem:s9], [sflag:$0x2] =	stream.indirect.gather [spmem:s2], $0x80, s13, s3, $0xb8;
	[tilespmem:$0x19000] =	vst v63  }
0xd8: {  	s0 =	rddreg [dreg:$0x11]  }
0xd9: {  	[tilespmem:s10], [sflag:$0x2] =	stream.indirect.gather [spmem:s2], $0x80, s0, s3, $0xb8;
	[tilespmem:$0x19000] =	vst v63  }
0xda: {  	_ =	swait.ge [sflag:s7], $0x4000  }
0xdb: {  	[sflag:s7] =	ssyncset.done $0x0  }
0xdc: {  	[sflag:s7] =	ssyncadd.s32 $0xFFFFC000  }
0xdd: {  	_ =	swait.ge [sflag:s7], $0x4000  }
0xde: {  	[sflag:s7] =	ssyncset.done $0x0  }
0xdf: {  	[sflag:s7] =	ssyncadd.s32 $0xFFFFC000  }
0xe0: {  	_ =	swait.ge [sflag:s7], $0x4000  }
0xe1: {  	[sflag:s7] =	ssyncset.done $0x0  }
0xe2: {  	s13 =	rddreg [dreg:$0x6];
	[sflag:s7] =	ssyncadd.s32 $0xFFFFC000  }
0xe3: {  	[hbm4b:s13+s1] =	stream.linear.scatter [tilespmem:s4], [sflag:$0x3], $0xC000, $0x38;
	[tilespmem:$0x19000] =	vst v63  }
0xe4: {  	_ =	swait.ge [sflag:s6], $0xC000  }
0xe5: {  	[sflag:s6] =	ssyncset.done $0x0  }
0xe6: {  	s0 =	rddreg [dreg:$0x12];
	[sflag:s6] =	ssyncadd.s32 $0xFFFF4000  }
0xe7: {  	[tilespmem:s5], [sflag:$0x1] =	stream.indirect.gather [spmem:s2], $0x80, s0, s3, $0xb8;
	[tilespmem:$0x19000] =	vst v63  }
0xe8: {  	s13 =	rddreg [dreg:$0x13]  }
0xe9: {  	[tilespmem:s11], [sflag:$0x1] =	stream.indirect.gather [spmem:s2], $0x80, s13, s3, $0xb8;
	[tilespmem:$0x19000] =	vst v63  }
0xea: {  	s0 =	rddreg [dreg:$0x14]  }
0xeb: {  	[tilespmem:s12], [sflag:$0x1] =	stream.indirect.gather [spmem:s2], $0x80, s0, s3, $0xb8;
	[tilespmem:$0x19000] =	vst v63  }
0xec: {  	_ =	swait.ge [sflag:s8], $0x4000  }
0xed: {  	[sflag:s8] =	ssyncset.done $0x0  }
0xee: {  	[sflag:s8] =	ssyncadd.s32 $0xFFFFC000  }
0xef: {  	_ =	swait.ge [sflag:s8], $0x4000  }
0xf0: {  	[sflag:s8] =	ssyncset.done $0x0  }
0xf1: {  	[sflag:s8] =	ssyncadd.s32 $0xFFFFC000  }
0xf2: {  	_ =	swait.ge [sflag:s8], $0x4000  }
0xf3: {  	[sflag:s8] =	ssyncset.done $0x0  }
0xf4: {  	s13 =	rddreg [dreg:$0x7];
	[sflag:s8] =	ssyncadd.s32 $0xFFFFC000  }
0xf5: {  	[hbm4b:s13+s1] =	stream.linear.scatter [tilespmem:s5], [sflag:$0x3], $0xC000, $0x38;
	[tilespmem:$0x19000] =	vst v63  }
0xf6: {  	_ =	swait.ge [sflag:s6], $0xC000  }
0xf7: {  	[sflag:s6] =	ssyncset.done $0x0  }
0xf8: {  	s0 =	rddreg [dreg:$0x15];
	[sflag:s6] =	ssyncadd.s32 $0xFFFF4000  }
0xf9: {  	[tilespmem:s4], [sflag:$0x2] =	stream.indirect.gather [spmem:s2], $0x80, s0, s3, $0xb8;
	[tilespmem:$0x19000] =	vst v63  }
0xfa: {  	s13 =	rddreg [dreg:$0x16]  }
0xfb: {  	[tilespmem:s9], [sflag:$0x2] =	stream.indirect.gather [spmem:s2], $0x80, s13, s3, $0xb8;
	[tilespmem:$0x19000] =	vst v63  }
0xfc: {  	_ = 	snop  }
0xfd: {  	[tilespmem:s10], [sflag:$0x2] =	stream.indirect.gather [spmem:s2], $0x80, s26, s3, $0xb8;
	[tilespmem:$0x19000] =	vst v63  }
0xfe: {  	_ =	swait.ge [sflag:s7], $0x4000  }
0xff: {  	[sflag:s7] =	ssyncset.done $0x0  }
0x100: {  	[sflag:s7] =	ssyncadd.s32 $0xFFFFC000  }
0x101: {  	_ =	swait.ge [sflag:s7], $0x4000  }
0x102: {  	[sflag:s7] =	ssyncset.done $0x0  }
0x103: {  	[sflag:s7] =	ssyncadd.s32 $0xFFFFC000  }
0x104: {  	_ =	swait.ge [sflag:s7], $0x4000  }
0x105: {  	[sflag:s7] =	ssyncset.done $0x0  }
0x106: {  	s0 =	rddreg [dreg:$0x8];
	[sflag:s7] =	ssyncadd.s32 $0xFFFFC000  }
0x107: {  	[hbm4b:s0+s1] =	stream.linear.scatter [tilespmem:s4], [sflag:$0x3], $0xC000, $0x38;
	[tilespmem:$0x19000] =	vst v63  }
0x108: {  	_ =	swait.ge [sflag:s6], $0xC000  }
0x109: {  	[sflag:s6] =	ssyncset.done $0x0  }
0x10a: {  	[sflag:s6] =	ssyncadd.s32 $0xFFFF4000  }
0x10b: {  	[tilespmem:s5], [sflag:$0x1] =	stream.indirect.gather [spmem:s2], $0x80, s22, s3, $0xb8;
	[tilespmem:$0x19000] =	vst v63  }
0x10c: {  	_ = 	snop  }
0x10d: {  	[tilespmem:s11], [sflag:$0x1] =	stream.indirect.gather [spmem:s2], $0x80, s23, s3, $0xb8;
	[tilespmem:$0x19000] =	vst v63  }
0x10e: {  	_ = 	snop  }
0x10f: {  	[tilespmem:s12], [sflag:$0x1] =	stream.indirect.gather [spmem:s2], $0x80, s24, s3, $0xb8;
	[tilespmem:$0x19000] =	vst v63  }
0x110: {  	_ =	swait.ge [sflag:s8], $0x4000  }
0x111: {  	[sflag:s8] =	ssyncset.done $0x0  }
0x112: {  	[sflag:s8] =	ssyncadd.s32 $0xFFFFC000  }
0x113: {  	_ =	swait.ge [sflag:s8], $0x4000  }
0x114: {  	[sflag:s8] =	ssyncset.done $0x0  }
0x115: {  	[sflag:s8] =	ssyncadd.s32 $0xFFFFC000  }
0x116: {  	_ =	swait.ge [sflag:s8], $0x4000  }
0x117: {  	[sflag:s8] =	ssyncset.done $0x0  }
0x118: {  	s0 =	rddreg [dreg:$0x9];
	[sflag:s8] =	ssyncadd.s32 $0xFFFFC000  }
0x119: {  	[hbm4b:s0+s1] =	stream.linear.scatter [tilespmem:s5], [sflag:$0x3], $0xC000, $0x38;
	[tilespmem:$0x19000] =	vst v63  }
0x11a: {  	_ =	swait.ge [sflag:s6], $0xC000  }
0x11b: {  	[sflag:s6] =	ssyncset.done $0x0  }
0x11c: {  	[sflag:s6] =	ssyncadd.s32 $0xFFFF4000  }
0x11d: {  	[tilespmem:s4], [sflag:$0x2] =	stream.indirect.gather [spmem:s2], $0x80, s19, s3, $0xb8;
	[tilespmem:$0x19000] =	vst v63  }
0x11e: {  	_ = 	snop  }
0x11f: {  	[tilespmem:s9], [sflag:$0x2] =	stream.indirect.gather [spmem:s2], $0x80, s20, s3, $0xb8;
	[tilespmem:$0x19000] =	vst v63  }
0x120: {  	_ = 	snop  }
0x121: {  	[tilespmem:s10], [sflag:$0x2] =	stream.indirect.gather [spmem:s2], $0x80, s21, s3, $0xb8;
	[tilespmem:$0x19000] =	vst v63  }
0x122: {  	_ =	swait.ge [sflag:s7], $0x4000  }
0x123: {  	[sflag:s7] =	ssyncset.done $0x0  }
0x124: {  	[sflag:s7] =	ssyncadd.s32 $0xFFFFC000  }
0x125: {  	_ =	swait.ge [sflag:s7], $0x4000  }
0x126: {  	[sflag:s7] =	ssyncset.done $0x0  }
0x127: {  	[sflag:s7] =	ssyncadd.s32 $0xFFFFC000  }
0x128: {  	_ =	swait.ge [sflag:s7], $0x4000  }
0x129: {  	[sflag:s7] =	ssyncset.done $0x0  }
0x12a: {  	s0 =	rddreg [dreg:$0xa];
	[sflag:s7] =	ssyncadd.s32 $0xFFFFC000  }
0x12b: {  	[hbm4b:s0+s1] =	stream.linear.scatter [tilespmem:s4], [sflag:$0x3], $0xC000, $0x38;
	[tilespmem:$0x19000] =	vst v63  }
0x12c: {  	_ =	swait.ge [sflag:s6], $0xC000  }
0x12d: {  	[sflag:s6] =	ssyncset.done $0x0  }
0x12e: {  	[sflag:s6] =	ssyncadd.s32 $0xFFFF4000  }
0x12f: {  	[tilespmem:s5], [sflag:$0x1] =	stream.indirect.gather [spmem:s2], $0x80, s16, s3, $0xb8;
	[tilespmem:$0x19000] =	vst v63  }
0x130: {  	_ = 	snop  }
0x131: {  	[tilespmem:s11], [sflag:$0x1] =	stream.indirect.gather [spmem:s2], $0x80, s17, s3, $0xb8;
	[tilespmem:$0x19000] =	vst v63  }
0x132: {  	_ = 	snop  }
0x133: {  	[tilespmem:s12], [sflag:$0x1] =	stream.indirect.gather [spmem:s2], $0x80, s18, s3, $0xb8;
	[tilespmem:$0x19000] =	vst v63  }
0x134: {  	_ =	swait.ge [sflag:s8], $0x4000  }
0x135: {  	[sflag:s8] =	ssyncset.done $0x0  }
0x136: {  	[sflag:s8] =	ssyncadd.s32 $0xFFFFC000  }
0x137: {  	_ =	swait.ge [sflag:s8], $0x4000  }
0x138: {  	[sflag:s8] =	ssyncset.done $0x0  }
0x139: {  	[sflag:s8] =	ssyncadd.s32 $0xFFFFC000  }
0x13a: {  	_ =	swait.ge [sflag:s8], $0x4000  }
0x13b: {  	[sflag:s8] =	ssyncset.done $0x0  }
0x13c: {  	s0 =	rddreg [dreg:$0xb];
	[sflag:s8] =	ssyncadd.s32 $0xFFFFC000  }
0x13d: {  	[hbm4b:s0+s1] =	stream.linear.scatter [tilespmem:s5], [sflag:$0x3], $0xC000, $0x38;
	[tilespmem:$0x19000] =	vst v63  }
0x13e: {  	_ =	swait.ge [sflag:s6], $0xC000  }
0x13f: {  	[sflag:s6] =	ssyncset.done $0x0  }
0x140: {  	s13 =	simm.s32 $0xA80;
	[sflag:s6] =	ssyncadd.s32 $0xFFFF4000  }
0x141: {  	[tilespmem:s4], [sflag:$0x2] =	stream.indirect.gather [spmem:s2], $0x80, s13, s3, $0xb8;
	[tilespmem:$0x19000] =	vst v63  }
0x142: {  	_ = 	snop  }
0x143: {  	[tilespmem:s9], [sflag:$0x2] =	stream.indirect.gather [spmem:s2], $0x80, s14, s3, $0xb8;
	[tilespmem:$0x19000] =	vst v63  }
0x144: {  	_ = 	snop  }
0x145: {  	[tilespmem:s10], [sflag:$0x2] =	stream.indirect.gather [spmem:s2], $0x80, s15, s3, $0xb8;
	[tilespmem:$0x19000] =	vst v63  }
0x146: {  	_ =	swait.ge [sflag:s7], $0x4000  }
0x147: {  	[sflag:s7] =	ssyncset.done $0x0  }
0x148: {  	[sflag:s7] =	ssyncadd.s32 $0xFFFFC000  }
0x149: {  	_ =	swait.ge [sflag:s7], $0x4000  }
0x14a: {  	[sflag:s7] =	ssyncset.done $0x0  }
0x14b: {  	[sflag:s7] =	ssyncadd.s32 $0xFFFFC000  }
0x14c: {  	_ =	swait.ge [sflag:s7], $0x4000  }
0x14d: {  	s31 =	sadd.s32 $0xFFFFFFFF, s31;
	[sflag:s7] =	ssyncset.done $0x0  }
0x14e: {  	p2 =	sne.s32 s31, $0x0;
	s13 =	rddreg [dreg:$0xc];
	[sflag:s7] =	ssyncadd.s32 $0xFFFFC000  }
0x14f: {  	[hbm4b:s13+s1] =	stream.linear.scatter [tilespmem:s4], [sflag:$0x3], $0xC000, $0x38;
	[tilespmem:$0x19000] =	vst v63  }
.Ltmp2:
0x150: {  	_ =	swait.ge [sflag:s6], $0xC000;
	(pc) =	sbr.rel @p2 .LBB2_4-.Ltmp2, $4  }
0x151: {  	[sflag:s6] =	ssyncset.done $0x0  }
0x152: {  	[sflag:s6] =	ssyncadd.s32 $0xFFFF4000  }
0x153: {  	_ =	swait.ge [sflag:s6], $0xC000  }
0x154: {  	s0 =	rddreg [dreg:$0xd];
	[sflag:s6] =	ssyncset.done $0x0  }
0x155: {  	s31 =	simm.s32 $0xA80;
	s30 =	rddreg [dreg:$0x3]  }
.LBB2_6:
0x156: {  	s13 =	rddreg [dreg:$0x4];
	[sflag:s6] =	ssyncadd.s32 @p1 $0xFFFF4000;
	s29 =	simm.s32 @!p0 $0x1C04  }
0x157: {  	[spmem:s0], [sflag:s29] =	dma.local @!p0 [hbm:s13], $0x800  }
0x158: {  	s0 =	simm.s32 @!p0 $0x4  }
0x159: {  	_ =	swait.ge @!p0 [sflag:s0], $0x800  }
0x15a: {  	[sflag:s0] =	ssyncset.done @!p0 $0x0  }
0x15b: {  	s29 =	rddreg [dreg:$0x5];
	[sflag:s0] =	ssyncadd.s32 @!p0 $0xFFFFF800  }
0x15c: {  	[tilespmem:s1], [sflag:$0x4] =	stream.linear.gather [hbm4b:s29+s1], $0xC00, $0x38;
	[tilespmem:$0x19000] =	vst v63  }
0x15d: {  	_ =	swait.ge [sflag:s28], $0xC00  }
0x15e: {  	[sflag:s28] =	ssyncset.done $0x0  }
0x15f: {  	[sflag:s28] =	ssyncadd.s32 $0xFFFFF400  }
0x160: {  	[bflag:$0x0] =	sbarrier.arrive $0xFFFF  }
0x161: {  	[tilespmem:s5], [sflag:$0x1] =	stream.indirect.gather [spmem:s2], $0x80, s1, s3, $0xb8;
	[tilespmem:$0x19000] =	vst v63  }
0x162: {  	_ = 	snop  }
0x163: {  	[tilespmem:s11], [sflag:$0x1] =	stream.indirect.gather [spmem:s2], $0x80, s3, s3, $0xb8;
	[tilespmem:$0x19000] =	vst v63  }
0x164: {  	s29 =	rddreg [dreg:$0xe]  }
0x165: {  	[tilespmem:s12], [sflag:$0x1] =	stream.indirect.gather [spmem:s2], $0x80, s29, s3, $0xb8;
	[tilespmem:$0x19000] =	vst v63  }
0x166: {  	_ =	swait.ge [sflag:s8], $0x4000  }
0x167: {  	[sflag:s8] =	ssyncset.done $0x0  }
0x168: {  	[sflag:s8] =	ssyncadd.s32 $0xFFFFC000  }
0x169: {  	_ =	swait.ge [sflag:s8], $0x4000  }
0x16a: {  	[sflag:s8] =	ssyncset.done $0x0  }
0x16b: {  	[sflag:s8] =	ssyncadd.s32 $0xFFFFC000  }
0x16c: {  	_ =	swait.ge [sflag:s8], $0x4000  }
0x16d: {  	[sflag:s8] =	ssyncset.done $0x0  }
0x16e: {  	[sflag:s8] =	ssyncadd.s32 $0xFFFFC000  }
0x16f: {  	[hbm4b:s25+s1] =	stream.linear.scatter [tilespmem:s5], [sflag:$0x3], $0xC000, $0x38;
	[tilespmem:$0x19000] =	vst v63  }
0x170: {  	s13 =	rddreg [dreg:$0xf]  }
0x171: {  	[tilespmem:s4], [sflag:$0x2] =	stream.indirect.gather [spmem:s2], $0x80, s13, s3, $0xb8;
	[tilespmem:$0x19000] =	vst v63  }
0x172: {  	s28 =	rddreg [dreg:$0x10]  }
0x173: {  	[tilespmem:s9], [sflag:$0x2] =	stream.indirect.gather [spmem:s2], $0x80, s28, s3, $0xb8;
	[tilespmem:$0x19000] =	vst v63  }
0x174: {  	s29 =	rddreg [dreg:$0x11]  }
0x175: {  	[tilespmem:s10], [sflag:$0x2] =	stream.indirect.gather [spmem:s2], $0x80, s29, s3, $0xb8;
	[tilespmem:$0x19000] =	vst v63  }
0x176: {  	_ =	swait.ge [sflag:s7], $0x4000  }
0x177: {  	[sflag:s7] =	ssyncset.done $0x0  }
0x178: {  	[sflag:s7] =	ssyncadd.s32 $0xFFFFC000  }
0x179: {  	_ =	swait.ge [sflag:s7], $0x4000  }
0x17a: {  	[sflag:s7] =	ssyncset.done $0x0  }
0x17b: {  	[sflag:s7] =	ssyncadd.s32 $0xFFFFC000  }
0x17c: {  	_ =	swait.ge [sflag:s7], $0x4000  }
0x17d: {  	[sflag:s7] =	ssyncset.done $0x0  }
0x17e: {  	s13 =	rddreg [dreg:$0x6];
	[sflag:s7] =	ssyncadd.s32 $0xFFFFC000  }
0x17f: {  	[hbm4b:s13+s1] =	stream.linear.scatter [tilespmem:s4], [sflag:$0x3], $0xC000, $0x38;
	[tilespmem:$0x19000] =	vst v63  }
0x180: {  	_ =	swait.ge [sflag:s6], $0xC000  }
0x181: {  	[sflag:s6] =	ssyncset.done $0x0  }
0x182: {  	s25 =	rddreg [dreg:$0x12];
	[sflag:s6] =	ssyncadd.s32 $0xFFFF4000  }
0x183: {  	[tilespmem:s5], [sflag:$0x1] =	stream.indirect.gather [spmem:s2], $0x80, s25, s3, $0xb8;
	[tilespmem:$0x19000] =	vst v63  }
0x184: {  	s28 =	rddreg [dreg:$0x13]  }
0x185: {  	[tilespmem:s11], [sflag:$0x1] =	stream.indirect.gather [spmem:s2], $0x80, s28, s3, $0xb8;
	[tilespmem:$0x19000] =	vst v63  }
0x186: {  	s29 =	rddreg [dreg:$0x14]  }
0x187: {  	[tilespmem:s12], [sflag:$0x1] =	stream.indirect.gather [spmem:s2], $0x80, s29, s3, $0xb8;
	[tilespmem:$0x19000] =	vst v63  }
0x188: {  	_ =	swait.ge [sflag:s8], $0x4000  }
0x189: {  	[sflag:s8] =	ssyncset.done $0x0  }
0x18a: {  	[sflag:s8] =	ssyncadd.s32 $0xFFFFC000  }
0x18b: {  	_ =	swait.ge [sflag:s8], $0x4000  }
0x18c: {  	[sflag:s8] =	ssyncset.done $0x0  }
0x18d: {  	[sflag:s8] =	ssyncadd.s32 $0xFFFFC000  }
0x18e: {  	_ =	swait.ge [sflag:s8], $0x4000  }
0x18f: {  	[sflag:s8] =	ssyncset.done $0x0  }
0x190: {  	s25 =	rddreg [dreg:$0x7];
	[sflag:s8] =	ssyncadd.s32 $0xFFFFC000  }
0x191: {  	[hbm4b:s25+s1] =	stream.linear.scatter [tilespmem:s5], [sflag:$0x3], $0xC000, $0x38;
	[tilespmem:$0x19000] =	vst v63  }
0x192: {  	_ =	swait.ge [sflag:s6], $0xC000  }
0x193: {  	[sflag:s6] =	ssyncset.done $0x0  }
0x194: {  	s28 =	rddreg [dreg:$0x15];
	[sflag:s6] =	ssyncadd.s32 $0xFFFF4000  }
0x195: {  	[tilespmem:s4], [sflag:$0x2] =	stream.indirect.gather [spmem:s2], $0x80, s28, s3, $0xb8;
	[tilespmem:$0x19000] =	vst v63  }
0x196: {  	s29 =	rddreg [dreg:$0x16]  }
0x197: {  	[tilespmem:s9], [sflag:$0x2] =	stream.indirect.gather [spmem:s2], $0x80, s29, s3, $0xb8;
	[tilespmem:$0x19000] =	vst v63  }
0x198: {  	_ = 	snop  }
0x199: {  	[tilespmem:s10], [sflag:$0x2] =	stream.indirect.gather [spmem:s2], $0x80, s26, s3, $0xb8;
	[tilespmem:$0x19000] =	vst v63  }
0x19a: {  	_ =	swait.ge [sflag:s7], $0x4000  }
0x19b: {  	[sflag:s7] =	ssyncset.done $0x0  }
0x19c: {  	[sflag:s7] =	ssyncadd.s32 $0xFFFFC000  }
0x19d: {  	_ =	swait.ge [sflag:s7], $0x4000  }
0x19e: {  	[sflag:s7] =	ssyncset.done $0x0  }
0x19f: {  	[sflag:s7] =	ssyncadd.s32 $0xFFFFC000  }
0x1a0: {  	_ =	swait.ge [sflag:s7], $0x4000  }
0x1a1: {  	[sflag:s7] =	ssyncset.done $0x0  }
0x1a2: {  	s25 =	rddreg [dreg:$0x8];
	[sflag:s7] =	ssyncadd.s32 $0xFFFFC000  }
0x1a3: {  	[hbm4b:s25+s1] =	stream.linear.scatter [tilespmem:s4], [sflag:$0x3], $0xC000, $0x38;
	[tilespmem:$0x19000] =	vst v63  }
0x1a4: {  	_ =	swait.ge [sflag:s6], $0xC000  }
0x1a5: {  	[sflag:s6] =	ssyncset.done $0x0  }
0x1a6: {  	[sflag:s6] =	ssyncadd.s32 $0xFFFF4000  }
0x1a7: {  	[tilespmem:s5], [sflag:$0x1] =	stream.indirect.gather [spmem:s2], $0x80, s22, s3, $0xb8;
	[tilespmem:$0x19000] =	vst v63  }
0x1a8: {  	_ = 	snop  }
0x1a9: {  	[tilespmem:s11], [sflag:$0x1] =	stream.indirect.gather [spmem:s2], $0x80, s23, s3, $0xb8;
	[tilespmem:$0x19000] =	vst v63  }
0x1aa: {  	_ = 	snop  }
0x1ab: {  	[tilespmem:s12], [sflag:$0x1] =	stream.indirect.gather [spmem:s2], $0x80, s24, s3, $0xb8;
	[tilespmem:$0x19000] =	vst v63  }
0x1ac: {  	_ =	swait.ge [sflag:s8], $0x4000  }
0x1ad: {  	[sflag:s8] =	ssyncset.done $0x0  }
0x1ae: {  	[sflag:s8] =	ssyncadd.s32 $0xFFFFC000  }
0x1af: {  	_ =	swait.ge [sflag:s8], $0x4000  }
0x1b0: {  	[sflag:s8] =	ssyncset.done $0x0  }
0x1b1: {  	[sflag:s8] =	ssyncadd.s32 $0xFFFFC000  }
0x1b2: {  	_ =	swait.ge [sflag:s8], $0x4000  }
0x1b3: {  	[sflag:s8] =	ssyncset.done $0x0  }
0x1b4: {  	s26 =	rddreg [dreg:$0x9];
	[sflag:s8] =	ssyncadd.s32 $0xFFFFC000  }
0x1b5: {  	[hbm4b:s26+s1] =	stream.linear.scatter [tilespmem:s5], [sflag:$0x3], $0xC000, $0x38;
	[tilespmem:$0x19000] =	vst v63  }
0x1b6: {  	_ =	swait.ge [sflag:s6], $0xC000  }
0x1b7: {  	[sflag:s6] =	ssyncset.done $0x0  }
0x1b8: {  	[sflag:s6] =	ssyncadd.s32 $0xFFFF4000  }
0x1b9: {  	[tilespmem:s4], [sflag:$0x2] =	stream.indirect.gather [spmem:s2], $0x80, s19, s3, $0xb8;
	[tilespmem:$0x19000] =	vst v63  }
0x1ba: {  	_ = 	snop  }
0x1bb: {  	[tilespmem:s9], [sflag:$0x2] =	stream.indirect.gather [spmem:s2], $0x80, s20, s3, $0xb8;
	[tilespmem:$0x19000] =	vst v63  }
0x1bc: {  	_ = 	snop  }
0x1bd: {  	[tilespmem:s10], [sflag:$0x2] =	stream.indirect.gather [spmem:s2], $0x80, s21, s3, $0xb8;
	[tilespmem:$0x19000] =	vst v63  }
0x1be: {  	_ =	swait.ge [sflag:s7], $0x4000  }
0x1bf: {  	[sflag:s7] =	ssyncset.done $0x0  }
0x1c0: {  	[sflag:s7] =	ssyncadd.s32 $0xFFFFC000  }
0x1c1: {  	_ =	swait.ge [sflag:s7], $0x4000  }
0x1c2: {  	[sflag:s7] =	ssyncset.done $0x0  }
0x1c3: {  	[sflag:s7] =	ssyncadd.s32 $0xFFFFC000  }
0x1c4: {  	_ =	swait.ge [sflag:s7], $0x4000  }
0x1c5: {  	[sflag:s7] =	ssyncset.done $0x0  }
0x1c6: {  	s28 =	rddreg [dreg:$0xa];
	[sflag:s7] =	ssyncadd.s32 $0xFFFFC000  }
0x1c7: {  	[hbm4b:s28+s1] =	stream.linear.scatter [tilespmem:s4], [sflag:$0x3], $0xC000, $0x38;
	[tilespmem:$0x19000] =	vst v63  }
0x1c8: {  	_ =	swait.ge [sflag:s6], $0xC000  }
0x1c9: {  	[sflag:s6] =	ssyncset.done $0x0  }
0x1ca: {  	[sflag:s6] =	ssyncadd.s32 $0xFFFF4000  }
0x1cb: {  	[tilespmem:s5], [sflag:$0x1] =	stream.indirect.gather [spmem:s2], $0x80, s16, s3, $0xb8;
	[tilespmem:$0x19000] =	vst v63  }
0x1cc: {  	_ = 	snop  }
0x1cd: {  	[tilespmem:s11], [sflag:$0x1] =	stream.indirect.gather [spmem:s2], $0x80, s17, s3, $0xb8;
	[tilespmem:$0x19000] =	vst v63  }
0x1ce: {  	_ = 	snop  }
0x1cf: {  	[tilespmem:s12], [sflag:$0x1] =	stream.indirect.gather [spmem:s2], $0x80, s18, s3, $0xb8;
	[tilespmem:$0x19000] =	vst v63  }
0x1d0: {  	_ =	swait.ge [sflag:s8], $0x4000  }
0x1d1: {  	[sflag:s8] =	ssyncset.done $0x0  }
0x1d2: {  	[sflag:s8] =	ssyncadd.s32 $0xFFFFC000  }
0x1d3: {  	_ =	swait.ge [sflag:s8], $0x4000  }
0x1d4: {  	[sflag:s8] =	ssyncset.done $0x0  }
0x1d5: {  	[sflag:s8] =	ssyncadd.s32 $0xFFFFC000  }
0x1d6: {  	_ =	swait.ge [sflag:s8], $0x4000  }
0x1d7: {  	[sflag:s8] =	ssyncset.done $0x0  }
0x1d8: {  	s29 =	rddreg [dreg:$0xb];
	[sflag:s8] =	ssyncadd.s32 $0xFFFFC000  }
0x1d9: {  	[hbm4b:s29+s1] =	stream.linear.scatter [tilespmem:s5], [sflag:$0x3], $0xC000, $0x38;
	[tilespmem:$0x19000] =	vst v63  }
0x1da: {  	_ =	swait.ge [sflag:s6], $0xC000  }
0x1db: {  	[sflag:s6] =	ssyncset.done $0x0  }
0x1dc: {  	[sflag:s6] =	ssyncadd.s32 $0xFFFF4000  }
0x1dd: {  	[tilespmem:s4], [sflag:$0x2] =	stream.indirect.gather [spmem:s2], $0x80, s31, s3, $0xb8;
	[tilespmem:$0x19000] =	vst v63  }
0x1de: {  	_ = 	snop  }
0x1df: {  	[tilespmem:s9], [sflag:$0x2] =	stream.indirect.gather [spmem:s2], $0x80, s14, s3, $0xb8;
	[tilespmem:$0x19000] =	vst v63  }
0x1e0: {  	_ = 	snop  }
0x1e1: {  	[tilespmem:s10], [sflag:$0x2] =	stream.indirect.gather [spmem:s2], $0x80, s15, s3, $0xb8;
	[tilespmem:$0x19000] =	vst v63  }
0x1e2: {  	_ =	swait.ge [sflag:s7], $0x4000  }
0x1e3: {  	[sflag:s7] =	ssyncset.done $0x0  }
0x1e4: {  	[sflag:s7] =	ssyncadd.s32 $0xFFFFC000  }
0x1e5: {  	_ =	swait.ge [sflag:s7], $0x4000  }
0x1e6: {  	[sflag:s7] =	ssyncset.done $0x0  }
0x1e7: {  	[sflag:s7] =	ssyncadd.s32 $0xFFFFC000  }
0x1e8: {  	_ =	swait.ge [sflag:s7], $0x4000  }
0x1e9: {  	[sflag:s7] =	ssyncset.done $0x0  }
0x1ea: {  	s31 =	rddreg [dreg:$0xc];
	[sflag:s7] =	ssyncadd.s32 $0xFFFFC000  }
0x1eb: {  	[hbm4b:s31+s1] =	stream.linear.scatter [tilespmem:s4], [sflag:$0x3], $0xC000, $0x38;
	[tilespmem:$0x19000] =	vst v63  }
0x1ec: {  	_ =	swait.ge [sflag:s6], $0xC000  }
0x1ed: {  	[sflag:s6] =	ssyncset.done $0x0  }
0x1ee: {  	[sflag:s6] =	ssyncadd.s32 $0xFFFF4000  }
0x1ef: {  	_ =	swait.ge [sflag:s6], $0xC000  }
0x1f0: {  	[sflag:s6] =	ssyncset.done $0x0  }
0x1f1: {  	[sflag:s6] =	ssyncadd.s32 $0xFFFF4000  }
0x1f2: {  	_ =	sfence.sel $0x180000  }
0x1f3: {  	[bflag:$0x0] =	sbarrier.arrive $0xFFFF  }
0x1f4: {  	_ =	strace $0x90000047  }
0x1f5: {  	s0 =	sadd.s32 @!p0 $0x100000, s30;
	[bflag:$0x2] =	sbarrier.arrive $0xFFFF  }
0x1f6: {  	[sflag:s0] =	ssyncadd.tile.s32 @!p0 $0x1;
	_ =	shalt  }
.LBB2_1:
.Ltmp3:
0x1f7: {  	(pc) =	sbr.rel .LBB2_6-.Ltmp3, $2  }
0x1f8: {  	_ =	sdelay $0x2  }
0x1f9: {  	s31 =	simm.s32 $0xA80  }
.LBB2_3:
.Ltmp4:
0x1fa: {  	(pc) =	sbr.rel .LBB2_6-.Ltmp4, $2  }
0x1fb: {  	_ =	sdelay $0x2  }
0x1fc: {  	s31 =	simm.s32 $0xA80;
	s30 =	rddreg [dreg:$0x3]  }
.Lfunc_end2:
_tile_overlayer_lowered:
.L_overlay_start_2:
0x1fd: {  	(tag) =	ssettag $0x2  }
0x1fe: {  	s0 =	rddreg [dreg:$0x0];
	s2 =	stileid.u32  }
0x1ff: {  	s1 =	rddreg [dreg:$0x1];
	p0 =	sne.s32 s2, $0x0  }
0x200: {  	s3 =	rddreg [dreg:$0x2];
	[bflag:$0x3] =	sbarrier.arrive $0xFFFF;
	s2 =	simm.s32 @!p0 $0x1C04  }
0x201: {  	[timem:s3], [sflag:s2] =	dma.local @!p0 [hbm:s0], s1  }
0x202: {  	s0 =	simm.s32 @!p0 $0x4  }
0x203: {  	_ =	swait.ge @!p0 [sflag:s0], s1  }
0x204: {  	s1 =	ssub.s32 @!p0 $0x0, s1;
	[sflag:s0] =	ssyncset.done @!p0 $0x0  }
0x205: {  	[sflag:s0] =	ssyncadd.s32 @!p0 s1  }
0x206: {  	[bflag:$0x3] =	sbarrier.arrive $0xFFFF  }
0x207: {  	_ =	shalt  }

// kernel: sparse-core-data-format-call.cloned.1.call-start
scs
called_computation_lowered:
.L_overlay_start_0:
0x0: {  	s2 =	sld [smem:$0x3FD9]  }
0x1: {  	s3 =	sld [smem:$0x3FFE];
	_ =	sdelay $0x1  }
0x2: {  	s1 =	srdreg.scid  }
0x3: {  	s0 =	sand.u32 $0x1, s1  }
0x4: {  	s18 =	sshll.u32 s0, $0xA;
	s2 =	sadd.s32 s3, s2  }
0x5: {  	s2 =	sadd.s32 s2, s18  }
0x6: {  	[smem:$0x3FC2] =	sst s2  }
0x7: {  	_ = 	snop  }
0x8: {  	s2 =	sld [smem:$0x3FD0];
	(tm) =	ssettm $0x1  }
0x9: {  	s19 =	sld [smem:$0x3FFB];
	_ =	sdelay $0x3  }
0xa: {  	_ =	strace s19  }
0xb: {  	s3 =	sld [smem:$0x3FFC];
	_ =	sdelay $0x3  }
0xc: {  	_ =	strace s3  }
0xd: {  	s3 =	sld [smem:$0x3FFD];
	_ =	sdelay $0x3  }
0xe: {  	_ =	strace s3  }
0xf: {  	_ =	strace $0x8FFFFFFF  }
0x10: {  	s20 =	sld [smem:$0x3FDB];
	_ =	sdelay $0x1  }
0x11: {  	s4 =	simm.s32 $_scs_section_size  }
0x12: {  	s5 =	simm.s32 $_size__tile_overlayer_lowered;
	s6 =	simm.s32 $_tile_overlayer_lowered  }
0x13: {  	s23 =	simm.s32 $0x1BFF;
	s22 =	sshll.u32 s6, $0x1;
	s3 =	sadd.s32 s4, s20  }
0x14: {  	s7 =	simm.s32 $0x0;
	s21 =	sshll.u32 s5, $0x1;
	s5 =	sadd.s32 s22, s3  }
0x15: {  	[timem:s7], [sflag:s23] =	dma.local [hbm:s5], s21  }
0x16: {  	_ =	swait.ge [sflag:s23], s21  }
0x17: {  	s4 =	ssub.s32 $0x0, s21;
	[sflag:s23] =	ssyncset.done $0x0  }
0x18: {  	[sflag:s23] =	ssyncadd.s32 s4;
	_ =	sdelay $0x1  }
0x19: {  	s24 =	simm.s32 $0x1B8B  }
0x1a: {  	_ =	swait.ge [sflag:s24], $0x1  }
0x1b: {  	[sflag:s24] =	ssyncset.done $0x0  }
0x1c: {  	s26 =	simm.s32 $0x1B8E;
	s25 =	sld [smem:$0x3FFE];
	[sflag:s24] =	ssyncadd.s32 $0xFFFFFFFF  }
0x1d: {  	s27 =	simm.s32 $execute0_lowered;
	[smem:$0x3FD2] =	sst s26  }
0x1e: {  	s5 =	sshll.u32 s27, $0x1;
	_ =	strace $0x80000049;
	[dreg:$0x1] =	wrdreg $0xFFFFFFFF  }
0x1f: {  	s28 =	simm.s32 $_size_execute0_lowered;
	s3 =	sadd.s32 s3, s5;
	[dreg:$0x0] =	wrdreg $0x0  }
0x20: {  	s5 =	sshll.u32 s28, $0x1;
	[dreg:$0x2] =	wrdreg s3  }
0x21: {  	[dreg:$0x3] =	wrdreg s5  }
0x22: {  	[dreg:$0x4] =	wrdreg $0xC0  }
0x23: {  	_ =	task [dreg:s7], $0x5FFFF  }
0x24: {  	[dreg:$0x1] =	wrdreg $0xFFFFFFFF  }
0x25: {  	[dreg:$0x0] =	wrdreg $0x60  }
0x26: {  	[dreg:$0x2] =	wrdreg s25  }
0x27: {  	[dreg:$0x3] =	wrdreg s2  }
0x28: {  	[dreg:$0x4] =	wrdreg $0x9  }
0x29: {  	_ =	task.clear_ibuf [dreg:s7], $0x5FFFF;
	_ =	strace $0x90000049  }
0x2a: {  	s29 =	simm.s32 $0x9;
	_ =	strace $0x8000004B  }
0x2b: {  	_ =	swait.ge [sflag:s29], $0x1  }
0x2c: {  	[sflag:s29] =	ssyncadd.s32 $0xFFFFFFFF  }
0x2d: {  	_ =	strace $0x9000004B  }
0x2e: {  	_ =	sfence  }
0x2f: {  	s30 =	sld [smem:$0x0];
	_ =	sdelay $0x2  }
0x30: {  	s31 =	sshll.u32 s1, $0xD;
	s1 =	sshrl.u32 s1, $0x2  }
0x31: {  	s3 =	sand.u32 $0x4000, s31;
	s1 =	sadd.s32 s1, s30  }
0x32: {  	s0 =	sor.u32 s3, s0;
	s1 =	sshll.u32 s1, $0x11  }
0x33: {  	s0 =	sor.u32 s1, s0  }
0x34: {  	s0 =	sadd.s32 $0x8F2B, s0  }
0x35: {  	[sflag:s0] =	ssyncadd.remote.s32 $0x1  }
0x36: {  	_ =	sfence.sel $0xFFFF  }
0x37: {  	[dreg:$0x0] =	wrdreg $0xFFFFFFFF;
	(pc) =	sbr.abs _section_cstart, $3  }
0x38: {  	[dreg:$0x1] =	wrdreg $0xFFFFFFFF  }
0x39: {  	_ =	task.clear_ibuf [dreg:s7], $0x2FFFF;
	_ =	strace $0x9FFFFFFF  }
0x3a: {  	(tm) =	ssettm $0x7FFFFFFF  }
0x3b: {  	_ =	shalt  }
tec
execute0_lowered:
.L_overlay_start_1:
0x0: {  	(tag) =	ssettag $0x1  }
0x1: {  	s0 =	srdreg.scid  }
0x2: {  	s1 =	sshll.u32 s0, $0x4  }
0x3: {  	s0 =	stileid.u32;
	s1 =	sand.u32 $0x10, s1  }
0x4: {  	s6 =	rddreg [dreg:$0x0];
	s1 =	sor.u32 s0, s1  }
0x5: {  	s4 =	simm.s32 $0x1;
	s7 =	simm.s32 $0x2;
	s2 =	sshll.u32 s1, $0x5  }
0x6: {  	s14 =	simm.s32 $0x0;
	s8 =	simm.s32 $0x1000;
	s1 =	ssub.s32 $0x1000, s2  }
0x7: {  	s9 =	simm.s32 $0x80000;
	s10 =	simm.s32 $0x0;
	s3 =	sand.u32 $0x3E0, s1  }
0x8: {  	s15 =	simm.s32 $0x0;
	s5 =	sshrl.u32 s1, $0xA;
	p0 =	sne.s32 s3, $0x0  }
.Ltmp0:
0x9: {  	s1 =	rddreg [dreg:$0x2];
	s4 =	simm.s32 @!p0 $0x0;
	(pc) =	sbr.rel .LBB1_1-.Ltmp0, $4  }
0xa: {  	s11 =	simm.s32 $0x0;
	s3 =	rddreg [dreg:$0x1];
	s5 =	sadd.s32 s4, s5  }
0xb: {  	_ =	strace $0x8000004A;
	s4 =	simm.s32 $0x1;
	s5 =	smul.u32 $0x5, s5  }
0xc: {  	s13 =	simm.s32 $0x0;
	s6 =	sadd.s32 $0x1A00, s6;
	[sflag:s4] =	ssyncpa.u1 $0x0  }
0xd: {  	s12 =	smov.u32 s2;
	[sflag:s7] =	ssyncpa.u1 $0x0;
	s7 =	sadd.s32 $0x1, s5  }
.LBB1_7:
0xe: {  	s16 =	sadd.s32 $0x4, s11  }
0xf: {  	s14 =	sadd.s32 $0x400, s12;
	s18 =	smov.u32 s12;
	p1 =	sgt.s32 s16, $0x13  }
0x10: {  	s18 =	smov.u32 @p1 s14  }
0x11: {  	s16 =	simm.s32 @p1 $0x0;
	p1 =	sgt.s32 s18, $0xFFF  }
0x12: {  	s18 =	smov.u32 @p1 s2;
	p1 =	sne.s32 s13, s7  }
.Ltmp1:
0x13: {  	p0 =	slt.u32 s13, $0x2;
	(pc) =	sbr.rel @!p1 .LBB1_8-.Ltmp1, $4  }
0x14: {  	s17 =	simm.s32 @!p0 $0x2  }
0x15: {  	s15 =	smov.u32 s12;
	s10 =	sadd.s32 $0x4000, s10;
	_ =	swait.ge @!p0 [sflag:s17], $0x4000  }
0x16: {  	s14 =	smov.u32 s11;
	[sflag:s17] =	ssyncset.done @!p0 $0x0;
	s11 =	smov.u32 s16  }
0x17: {  	s13 =	sadd.s32 $0x1, s13;
	[sflag:s17] =	ssyncadd.s32 @!p0 $0xFFFFC000;
	s12 =	smov.u32 s18  }
.LBB1_1:
0x18: {  	p0 =	sge.u32 s13, s5  }
0x19: {  	s16 =	sand.u32 @!p0 $0x1FFFFFF, s11  }
0x1a: {  	s17 =	smulhi.u32 @!p0 $0xAAAAAAB, s16;
	_ =	sdelay $0x1  }
0x1b: {  	s17 =	smul.u32 @!p0 $0x18, s17  }
0x1c: {  	s18 =	sxor.u32 @!p0 $0xFFFFFFFF, s13;
	s19 =	smul.u32 @!p0 $0x180, s12  }
0x1d: {  	s31 =	sadd.s32 $0xFFFFFFFF, s13;
	s18 =	sshll.u32 @!p0 s18, $0xE;
	s16 =	ssub.s32 @!p0 s16, s17  }
0x1e: {  	s17 =	sand.u32 @!p0 $0x4000, s18;
	s18 =	sadd.s32 @!p0 s6, s19;
	s16 =	sshll.u32 @!p0 s16, $0x4  }
0x1f: {  	s19 =	simm.s32 @!p0 $0xC00;
	s16 =	sadd.s32 @!p0 s16, s18;
	s18 =	simm.s32 @!p0 $0x200  }
0x20: {  	[tilespmem:s17], [sflag:$0x1] =	stream.strided.gather @!p0 [hbm4b:s16+s18], $0x4000, s19, s18, $0x38;
	[tilespmem:$0x10000] =	vst v63  }
0x21: {  	p0 =	sge.u32 s31, s5  }
.Ltmp2:
0x22: {  	_ = 	snop;
	(pc) =	sbr.rel @p0 .LBB1_7-.Ltmp2, $1  }
0x23: {  	_ =	sdelay $0x3  }
0x24: {  	s17 =	sand.u32 $0x4000, s10  }
0x25: {  	_ =	swait.ge [sflag:s4], $0x4000;
	s19 =	sshll.u32 s13, $0xE;
	s16 =	sor.u32 $0x8040, s17  }
0x26: {  	s18 =	sor.u32 $0x40, s17;
	[sflag:s4] =	ssyncset.done $0x0;
	s31 =	sand.u32 $0x4000, s19  }
0x27: {  	s19 =	simm.s32 $0x0;
	[sflag:s4] =	ssyncadd.s32 $0xFFFFC000;
	s17 =	sor.u32 $0x8000, s31  }
.LBB1_3:
0x28: {  	v0 =	vmov s18;
	_ =	sdelay $0x3  }
0x29: {  	s21 =	simm.s32 $0x0  }
0x2a: {  	v6 =	vld.idx.msk [tilespmem:v0+s21+$0x30 ss:$0x1], $0xffff  }
0x2b: {  	v7 =	vld.idx.msk [tilespmem:v0+s21+$0xFFFFFFC0 ss:$0x1], $0xffff  }
0x2c: {  	v5 =	vld.idx.msk [tilespmem:v0+s21+$0xFFFFFFD0 ss:$0x1], $0xffff  }
0x2d: {  	v4 =	vld.idx.msk [tilespmem:v0+s21+$0xFFFFFFE0 ss:$0x1], $0xffff  }
0x2e: {  	v3 =	vld.idx.msk [tilespmem:v0+s21+$0xFFFFFFF0 ss:$0x1], $0xffff  }
0x2f: {  	v1 =	vld.idx.msk [tilespmem:v0+s21+$0x0 ss:$0x1], $0xffff  }
0x30: {  	v2 =	vld.idx.msk [tilespmem:v0+s21+$0x10 ss:$0x1], $0xffff;
	[tilespmem:s16+$0x30] =	vst v6  }
0x31: {  	s20 =	simm.s32 $0x80;
	s22 =	simm.s32 $0x400;
	[tilespmem:s16+$0xFFFFFFC0] =	vst v7;
	v6 =	vld.idx.msk [tilespmem:v0+s21+$0x20 ss:$0x1], $0xffff;
	s21 =	smov.u32 s16  }
.LBB1_4:
0x32: {  	p0 =	sne.s32 s22, $0x600;
	v7 =	vld.idx.msk [tilespmem:v0+s20+$0x30 ss:$0x1], $0xffff;
	[tilespmem:s21+$0xFFFFFFD0] =	vst v5  }
0x33: {  	v8 =	vld.idx.msk [tilespmem:v0+s20+$0xFFFFFFC0 ss:$0x1], $0xffff;
	[tilespmem:s21+$0xFFFFFFE0] =	vst v4  }
0x34: {  	v5 =	vld.idx.msk [tilespmem:v0+s20+$0xFFFFFFD0 ss:$0x1], $0xffff;
	[tilespmem:s21+$0xFFFFFFF0] =	vst v3  }
.Ltmp3:
0x35: {  	v4 =	vld.idx.msk [tilespmem:v0+s20+$0xFFFFFFE0 ss:$0x1], $0xffff;
	[tilespmem:s21+$0x0] =	vst v1;
	(pc) =	sbr.rel @p0 .LBB1_4-.Ltmp3, $4  }
0x36: {  	v3 =	vld.idx.msk [tilespmem:v0+s20+$0xFFFFFFF0 ss:$0x1], $0xffff;
	[tilespmem:s21+$0x10] =	vst v2  }
0x37: {  	v1 =	vld.idx.msk [tilespmem:v0+s20+$0x0 ss:$0x1], $0xffff;
	[tilespmem:s21+$0x20] =	vst v6;
	s21 =	sadd.s32 $0x1000, s21  }
0x38: {  	v2 =	vld.idx.msk [tilespmem:v0+s20+$0x10 ss:$0x1], $0xffff;
	[tilespmem:s21+$0x30] =	vst v7  }
0x39: {  	[tilespmem:s21+$0xFFFFFFC0] =	vst v8;
	v6 =	vld.idx.msk [tilespmem:v0+s20+$0x20 ss:$0x1], $0xffff;
	s20 =	sshra.s32 s22, $0x2;
	s22 =	sadd.s32 $0x200, s22  }
0x3a: {  	_ =	sdelay $0x2  }
0x3b: {  	[tilespmem:s21+$0xFFFFFFD0] =	vst v5  }
0x3c: {  	v56 =	vld.idx.msk [tilespmem:v0+s20+$0x30 ss:$0x1], $0xffff;
	[tilespmem:s21+$0xFFFFFFE0] =	vst v4  }
0x3d: {  	v57 =	vld.idx.msk [tilespmem:v0+s20+$0xFFFFFFC0 ss:$0x1], $0xffff;
	[tilespmem:s21+$0xFFFFFFF0] =	vst v3  }
0x3e: {  	v58 =	vld.idx.msk [tilespmem:v0+s20+$0xFFFFFFD0 ss:$0x1], $0xffff;
	[tilespmem:s21+$0x0] =	vst v1  }
0x3f: {  	v59 =	vld.idx.msk [tilespmem:v0+s20+$0xFFFFFFE0 ss:$0x1], $0xffff;
	[tilespmem:s21+$0x10] =	vst v2  }
0x40: {  	v60 =	vld.idx.msk [tilespmem:v0+s20+$0xFFFFFFF0 ss:$0x1], $0xffff;
	s31 =	sadd.s32 $0x1000, s21;
	[tilespmem:s21+$0x20] =	vst v6  }
0x41: {  	v61 =	vld.idx.msk [tilespmem:v0+s20+$0x0 ss:$0x1], $0xffff;
	[tilespmem:s31+$0x30] =	vst v56  }
0x42: {  	v62 =	vld.idx.msk [tilespmem:v0+s20+$0x10 ss:$0x1], $0xffff;
	s19 =	sadd.s32 $0x1, s19;
	[tilespmem:s31+$0xFFFFFFC0] =	vst v57  }
0x43: {  	v63 =	vld.idx.msk [tilespmem:v0+s20+$0x20 ss:$0x1], $0xffff;
	p0 =	sne.s32 s19, $0x20;
	[tilespmem:s31+$0xFFFFFFD0] =	vst v58  }
.Ltmp4:
0x44: {  	[tilespmem:s31+$0xFFFFFFE0] =	vst v59;
	(pc) =	sbr.rel @p0 .LBB1_3-.Ltmp4, $4  }
0x45: {  	[tilespmem:s31+$0xFFFFFFF0] =	vst v60  }
0x46: {  	[tilespmem:s31+$0x0] =	vst v61  }
0x47: {  	[tilespmem:s31+$0x10] =	vst v62  }
0x48: {  	s16 =	sadd.s32 $0x80, s16;
	s18 =	sadd.s32 $0x200, s18;
	[tilespmem:s31+$0x20] =	vst v63  }
.Ltmp5:
0x49: {  	s15 =	sshll.u32 s15, $0x4;
	(pc) =	sbr.rel .LBB1_7-.Ltmp5, $4  }
0x4a: {  	s15 =	sand.u32 $0xFFF0, s15  }
0x4b: {  	s14 =	sshll.u32 s14, $0x10;
	s15 =	sadd.s32 s3, s15  }
0x4c: {  	s14 =	sadd.s32 s14, s15  }
0x4d: {  	[hbm4b:s14+s8] =	stream.strided.scatter [tilespmem:s17], [sflag:$0x2], $0x4000, s9, s8, $0x38;
	[tilespmem:$0x10000] =	vst v63  }
.LBB1_8:
0x4e: {  	_ =	sfence.sel $0x180000  }
0x4f: {  	s2 =	simm.s32 $0x1;
	[bflag:$0x0] =	sbarrier.arrive $0xFFFF  }
0x50: {  	s31 =	simm.s32 $0x2;
	[sflag:s2] =	ssyncpa.u1 $0x1  }
0x51: {  	[sflag:s31] =	ssyncpa.u1 $0x1  }
0x52: {  	p0 =	sne.s32 s0, $0x0;
	_ =	strace $0x9000004A  }
0x53: {  	s0 =	sadd.s32 @!p0 $0x100000, s1;
	[bflag:$0x2] =	sbarrier.arrive $0xFFFF  }
0x54: {  	[sflag:s0] =	ssyncadd.tile.s32 @!p0 $0x1;
	_ =	shalt  }
.Lfunc_end1:
_tile_overlayer_lowered:
.L_overlay_start_2:
0x55: {  	(tag) =	ssettag $0x2  }
0x56: {  	s0 =	rddreg [dreg:$0x0];
	s2 =	stileid.u32  }
0x57: {  	s1 =	rddreg [dreg:$0x1];
	p0 =	sne.s32 s2, $0x0  }
0x58: {  	s3 =	rddreg [dreg:$0x2];
	[bflag:$0x3] =	sbarrier.arrive $0xFFFF;
	s2 =	simm.s32 @!p0 $0x1C01  }
0x59: {  	[timem:s3], [sflag:s2] =	dma.local @!p0 [hbm:s0], s1  }
0x5a: {  	s0 =	simm.s32 @!p0 $0x1  }
0x5b: {  	_ =	swait.ge @!p0 [sflag:s0], s1  }
0x5c: {  	s1 =	ssub.s32 @!p0 $0x0, s1;
	[sflag:s0] =	ssyncset.done @!p0 $0x0  }
0x5d: {  	[sflag:s0] =	ssyncadd.s32 @!p0 s1  }
0x5e: {  	[bflag:$0x3] =	sbarrier.arrive $0xFFFF  }
0x5f: {  	_ =	shalt  }

</sc_bundles>
